<compile_context>
chip_gen: v7x
topology: tpu7x:2x2x1
jax: 0.10.2.dev20260603
libtpu: 0.0.44.dev20260713+nightly
codegen_flags: <defaults>
</compile_context>

<pallas_src>
import functools

import jax
import jax.numpy as jnp
from jax import lax
from jax.experimental import pallas as pl
from jax.experimental.pallas import tpu as pltpu
from jax.experimental.pallas import tpu_sc as plsc

EPS = 1e-5

_NC = 2
_NS = 16
_NW = _NC * _NS

_CB = 40

_NSEG = 1
_EB = 1280


def _sc_gather(xt, idx3):
    E, C = xt.shape
    EW = idx3.shape[2]
    NCH = EW // _CB
    EP = _NW * EW

    mesh = plsc.VectorSubcoreMesh(core_axis_name="c", subcore_axis_name="s")

    @functools.partial(
        pl.kernel,
        out_type=jax.ShapeDtypeStruct((4, EP, C), jnp.float32),
        mesh=mesh,
        scratch_types=[
            [pltpu.VMEM((EW,), jnp.int32) for _ in range(4)],
            pltpu.VMEM((4, _CB, C), jnp.float32),
            pltpu.VMEM((4, _CB, C), jnp.float32),
            pltpu.SemaphoreType.DMA,
            pltpu.SemaphoreType.DMA,
        ],
    )
    def gather_kernel(xt_hbm, idx3_hbm, g_hbm, idx_v, bufa, bufb, sema, semb):
        wid = lax.axis_index("s") * _NC + lax.axis_index("c")
        base = wid * EW
        for k in range(4):
            pltpu.sync_copy(idx3_hbm.at[wid, k], idx_v[k])

        def start(chunk, buf, sem):
            off = chunk * _CB
            for k in range(4):
                pltpu.async_copy(
                    xt_hbm.at[idx_v[k].at[pl.ds(off, _CB)]], buf.at[k], sem)

        def wait4(buf, sem):
            for k in range(4):
                pltpu.make_async_copy(
                    xt_hbm.at[pl.ds(0, _CB)], buf.at[k], sem).wait()

        def write(chunk, buf):
            off = base + chunk * _CB
            for k in range(4):
                pltpu.sync_copy(buf.at[k], g_hbm.at[k, pl.ds(off, _CB)])

        start(0, bufa, sema)

        def body(t, carry):
            i = t * 2
            wait4(bufa, sema)
            start(i + 1, bufb, semb)
            write(i, bufa)
            wait4(bufb, semb)
            start(i + 2, bufa, sema)
            write(i + 1, bufb)
            return carry

        lax.fori_loop(0, (NCH - 1) // 2, body, 0)
        if NCH % 2:
            wait4(bufa, sema)
            write(NCH - 1, bufa)
        else:
            wait4(bufa, sema)
            start(NCH - 1, bufb, semb)
            write(NCH - 2, bufa)
            wait4(bufb, semb)
            write(NCH - 1, bufb)

    return gather_kernel(xt, idx3)


def _tc_conv(fe, g, wt, b2, seg, es):
    _, C, E = fe.shape
    c_out = wt.shape[1]
    nb = es // _EB
    off = seg * nb

    def body(fe_ref, g_ref, w_ref, b_ref, y_ref, st_ref, sacc, qacc):
        i = pl.program_id(0)

        @pl.when(i == 0)
        def _():
            sacc[...] = jnp.zeros_like(sacc)
            qacc[...] = jnp.zeros_like(qacc)

        xb = fe_ref[0]
        w = w_ref[...]
        gg = g_ref[...]
        s13 = gg[0] + gg[2]
        s24 = gg[1] + gg[3]
        d13 = jnp.abs(gg[0] - gg[2])
        d24 = jnp.abs(gg[1] - gg[3])
        dn = (((1,), (1,)), ((), ()))
        acc = jnp.dot(w[0], xb, preferred_element_type=jnp.float32)
        acc += lax.dot_general(w[1], s13, dn, preferred_element_type=jnp.float32)
        acc += lax.dot_general(w[2], s24, dn, preferred_element_type=jnp.float32)
        acc += lax.dot_general(w[3], d13, dn, preferred_element_type=jnp.float32)
        acc += lax.dot_general(w[4], d24, dn, preferred_element_type=jnp.float32)
        y = jnp.maximum(acc + b_ref[...], 0.0)
        y_ref[...] = y
        sacc[...] += jnp.sum(y, axis=1, keepdims=True)
        qacc[...] += jnp.sum(y * y, axis=1, keepdims=True)

        @pl.when(i == nb - 1)
        def _():
            st_ref[...] = jnp.concatenate([sacc[...], qacc[...]], axis=1)

    return pl.pallas_call(
        body,
        grid=(nb,),
        in_specs=[
            pl.BlockSpec((1, C, _EB), lambda i: (0, 0, i + off)),
            pl.BlockSpec((4, _EB, C), lambda i: (0, i, 0)),
            pl.BlockSpec((5, c_out, C), lambda i: (0, 0, 0)),
            pl.BlockSpec((c_out, 1), lambda i: (0, 0)),
        ],
        out_specs=[
            pl.BlockSpec((c_out, _EB), lambda i: (0, i)),
            pl.BlockSpec((c_out, 2), lambda i: (0, 0)),
        ],
        out_shape=[
            jax.ShapeDtypeStruct((c_out, es), jnp.float32),
            jax.ShapeDtypeStruct((c_out, 2), jnp.float32),
        ],
        scratch_shapes=[
            pltpu.VMEM((c_out, 1), jnp.float32),
            pltpu.VMEM((c_out, 1), jnp.float32),
        ],
        compiler_params=pltpu.CompilerParams(
            dimension_semantics=("arbitrary",)),
    )(fe, g, wt, b2)


def _tc_norm(y, st_all, n_total):
    c_out, es = y.shape
    nb = es // _EB
    nseg = st_all.shape[0]
    inv_e = float(1.0 / n_total)

    def body(y_ref, st_ref, o_ref):
        stv = jnp.sum(st_ref[...], axis=0)
        mu = stv[:, 0:1] * inv_e
        var = stv[:, 1:2] * inv_e - mu * mu
        r = lax.rsqrt(var + EPS)
        o_ref[...] = ((y_ref[...] - mu) * r)[None]

    return pl.pallas_call(
        body,
        grid=(nb,),
        in_specs=[
            pl.BlockSpec((c_out, _EB), lambda i: (0, i)),
            pl.BlockSpec((nseg, c_out, 2), lambda i: (0, 0, 0)),
        ],
        out_specs=pl.BlockSpec((1, c_out, _EB), lambda i: (0, 0, i)),
        out_shape=jax.ShapeDtypeStruct((1, c_out, es), jnp.float32),
        compiler_params=pltpu.CompilerParams(
            dimension_semantics=("arbitrary",)),
    )(y, st_all)


def kernel(fe, gemm_edges, W, b):
    _, C, E = fe.shape
    c_out = W.shape[0]
    es = E // _NSEG
    xt = jnp.transpose(fe[0])
    wt = jnp.transpose(W, (2, 0, 1))
    b2 = b.reshape(c_out, 1)
    ew = -(-es // (_NW * _CB)) * _CB
    idx = gemm_edges[0]

    ys, sts = [], []
    for s in range(_NSEG):
        idx_s = idx[s * es:(s + 1) * es]
        if _NW * ew != es:
            idx_s = jnp.concatenate(
                [idx_s, jnp.zeros((_NW * ew - es, 4), dtype=idx.dtype)],
                axis=0)
        idx3 = jnp.transpose(idx_s.reshape(_NW, ew, 4), (0, 2, 1))
        g = _sc_gather(xt, idx3)
        y, st = _tc_conv(fe, g, wt, b2, s, es)
        ys.append(y)
        sts.append(st)

    st_all = jnp.stack(sts)
    outs = [_tc_norm(y, st_all, E) for y in ys]
    return jnp.concatenate(outs, axis=2)

# --- scband reference (transcript-rebuilt; emitter-appended) ---
"""Pipeline reference for scband-mesh-encoder-3195455668376 (READ-ONLY COPY).

The authoritative reference and input builder live on the scoring server;
editing this copy changes nothing except your own understanding.
"""

import jax, jax.numpy as jnp
import numpy as np

B, C_IN, C_OUT, E = 1, 128, 64, 160000
EPS = 1e-5


def setup_inputs(seed: int = 0) -> dict:
    key = jax.random.key(seed)
    k1, k2, k3 = jax.random.split(key, 3)
    fe = jax.random.normal(k1, (B, C_IN, E), dtype=jnp.float32)
    gemm_edges = jax.random.randint(k2, (B, E, 4), 0, E, dtype=jnp.int32)
    # MeshConv conv weight: Conv2d(C_IN, C_OUT, kernel_size=(1,5)), xavier_normal init
    fan_in = C_IN * 5
    fan_out = C_OUT * 5
    std = float(np.sqrt(2.0 / (fan_in + fan_out)))
    W = jax.random.normal(k3, (C_OUT, C_IN, 5), dtype=jnp.float32) * std
    b = jnp.zeros((C_OUT,), dtype=jnp.float32)
    return {"fe": fe, "gemm_edges": gemm_edges, "W": W, "b": b}


def _mesh_conv(x, gemm, W, b):
    # x: [B, C, E]; gemm: [B, E, 4] neighbor edge indices
    Bq, C, Eq = x.shape
    self_idx = jnp.broadcast_to(jnp.arange(Eq, dtype=gemm.dtype)[None, :, None], (Bq, Eq, 1))
    Gi = jnp.concatenate([self_idx, gemm], axis=2) + 1  # shift for zero-pad row (MeshCNN pad_gemm + create_GeMM)
    xp = jnp.concatenate([jnp.zeros((Bq, C, 1), dtype=x.dtype), x], axis=2)  # [B, C, E+1]
    # gather: f[b, c, e, k] = xp[b, c, Gi[b, e, k]]
    f = jax.vmap(lambda xb, gb: xb[:, gb])(xp, Gi)  # [B, C, E, 5]
    # symmetric functions for equivariant conv
    x_1 = f[..., 1] + f[..., 3]
    x_2 = f[..., 2] + f[..., 4]
    x_3 = jnp.abs(f[..., 1] - f[..., 3])
    x_4 = jnp.abs(f[..., 2] - f[..., 4])
    G = jnp.stack([f[..., 0], x_1, x_2, x_3, x_4], axis=3)  # [B, C, E, 5]
    # Conv2d with kernel (1,5) over the neighbor axis == einsum
    out = jnp.einsum('bcek,ock->boe', G, W) + b[None, :, None]  # [B, C_OUT, E]
    return out


def _instance_norm(x):
    # InstanceNorm2d (affine=False) on [B, C, E, 1] == normalize per (b, c) over E
    mu = jnp.mean(x, axis=2, keepdims=True)
    var = jnp.var(x, axis=2, keepdims=True)
    return (x - mu) / jnp.sqrt(var + EPS)


def reference(fe, gemm_edges, W, b):
    # MeshEncoder with convs=[128,64], pools=[160000], blocks=0, leaky=0:
    # single DownConv: MeshConv -> leaky_relu(0)==relu -> InstanceNorm2d -> squeeze(3); no MeshPool triggered.
    x1 = _mesh_conv(fe, gemm_edges, W, b)
    x1 = jax.nn.relu(x1)
    x1 = _instance_norm(x1)
    return x1  # [B, C_OUT, E]

if __name__ == "__main__":
    import jax
    _d = setup_inputs()
    print(jax.jit(kernel)(*tuple(_d.values())))

</pallas_src>

<mosaic_0001>
#map = affine_map<(d0, d1) -> (0, 0)>
#map1 = affine_map<(d0, d1) -> (0, 0, 0)>
module attributes {stable_mosaic.version = 14 : i64} {
  func.func @gather_kernel(%arg0: i32, %arg1: i32, %arg2: memref<160000x128xf32, #tpu.memory_space<hbm>>, %arg3: memref<32x4x5000xi32, #tpu.memory_space<hbm>>, %arg4: memref<4x160000x128xf32, #tpu.memory_space<hbm>>, %arg5: memref<5000xi32, #tpu.memory_space<vmem>>, %arg6: memref<5000xi32, #tpu.memory_space<vmem>>, %arg7: memref<5000xi32, #tpu.memory_space<vmem>>, %arg8: memref<5000xi32, #tpu.memory_space<vmem>>, %arg9: memref<4x40x128xf32, #tpu.memory_space<vmem>>, %arg10: memref<4x40x128xf32, #tpu.memory_space<vmem>>, %arg11: memref<!tpu.dma_semaphore, #tpu.memory_space<semaphore_mem>>, %arg12: memref<!tpu.dma_semaphore, #tpu.memory_space<semaphore_mem>>) attributes {dimension_semantics = [#tpu.dimension_semantics<core_parallel>, #tpu.dimension_semantics<subcore_parallel>], iteration_bounds = array<i64: 2, 16>, scalar_prefetch = 0 : i64, scratch_operands = 8 : i64, tpu.core_type = #tpu.core_type<sc_vector_subcore>, window_params = [{transform_indices = #map}, {transform_indices = #map1}, {transform_indices = #map1}]} {
    %mul3A = arith.constant 2 : i32
    %mul3A_0 = arith.muli %arg1, %mul3A : i32
    %add3A = arith.addi %mul3A_0, %arg0 : i32
    %mul3A_1 = arith.constant 5000 : i32
    %mul3A_2 = arith.muli %add3A, %mul3A_1 : i32
    %run_scoped3A = arith.constant 0 : i32
    "tpu.region"() ({
      %run_scoped3A_119 = tpu.sem_alloc : memref<!tpu.dma_semaphore, #tpu.memory_space<semaphore_mem>>
      %dma_start3A_120 = arith.constant 0 : i32
      %dma_start3A_121 = tpu.memref_slice %arg3[%add3A, %run_scoped3A, %dma_start3A_120] : memref<32x4x5000xi32, #tpu.memory_space<hbm>> -> memref<1x1x5000xi32, #tpu.memory_space<hbm>>
      %dma_start3A_122 = tpu.memref_squeeze %dma_start3A_121 : memref<1x1x5000xi32, #tpu.memory_space<hbm>> -> memref<5000xi32, #tpu.memory_space<hbm>>
      %dma_start3A_123 = arith.constant 0 : i32
      %dma_start3A_124 = tpu.memref_slice %arg3[%add3A, %run_scoped3A, %dma_start3A_123] : memref<32x4x5000xi32, #tpu.memory_space<hbm>> -> memref<1x1x5000xi32, #tpu.memory_space<hbm>>
      %dma_start3A_125 = tpu.memref_squeeze %dma_start3A_124 : memref<1x1x5000xi32, #tpu.memory_space<hbm>> -> memref<5000xi32, #tpu.memory_space<hbm>>
      tpu.enqueue_dma source(%dma_start3A_125 : memref<5000xi32, #tpu.memory_space<hbm>>) target(%arg5 : memref<5000xi32, #tpu.memory_space<vmem>>) target_semaphore(%run_scoped3A_119 : memref<!tpu.dma_semaphore, #tpu.memory_space<semaphore_mem>>)
      %dma_wait3A_126 = arith.constant 0 : i32
      %dma_wait3A_127 = tpu.memref_slice %arg3[%add3A, %run_scoped3A, %dma_wait3A_126] : memref<32x4x5000xi32, #tpu.memory_space<hbm>> -> memref<1x1x5000xi32, #tpu.memory_space<hbm>>
      %dma_wait3A_128 = tpu.memref_squeeze %dma_wait3A_127 : memref<1x1x5000xi32, #tpu.memory_space<hbm>> -> memref<5000xi32, #tpu.memory_space<hbm>>
      %dma_wait3A_129 = arith.constant 0 : i32
      %dma_wait3A_130 = tpu.memref_slice %arg3[%add3A, %run_scoped3A, %dma_wait3A_129] : memref<32x4x5000xi32, #tpu.memory_space<hbm>> -> memref<1x1x5000xi32, #tpu.memory_space<hbm>>
      %dma_wait3A_131 = tpu.memref_squeeze %dma_wait3A_130 : memref<1x1x5000xi32, #tpu.memory_space<hbm>> -> memref<5000xi32, #tpu.memory_space<hbm>>
      tpu.wait_dma2 semaphore(%run_scoped3A_119 : memref<!tpu.dma_semaphore, #tpu.memory_space<semaphore_mem>>) src(%dma_wait3A_131 : memref<5000xi32, #tpu.memory_space<hbm>>) dst(%arg5 : memref<5000xi32, #tpu.memory_space<vmem>>)
      tpu.yield
    }) : () -> ()
    %run_scoped3A_3 = arith.constant 1 : i32
    "tpu.region"() ({
      %run_scoped3A_119 = tpu.sem_alloc : memref<!tpu.dma_semaphore, #tpu.memory_space<semaphore_mem>>
      %dma_start3A_120 = arith.constant 0 : i32
      %dma_start3A_121 = tpu.memref_slice %arg3[%add3A, %run_scoped3A_3, %dma_start3A_120] : memref<32x4x5000xi32, #tpu.memory_space<hbm>> -> memref<1x1x5000xi32, #tpu.memory_space<hbm>>
      %dma_start3A_122 = tpu.memref_squeeze %dma_start3A_121 : memref<1x1x5000xi32, #tpu.memory_space<hbm>> -> memref<5000xi32, #tpu.memory_space<hbm>>
      %dma_start3A_123 = arith.constant 0 : i32
      %dma_start3A_124 = tpu.memref_slice %arg3[%add3A, %run_scoped3A_3, %dma_start3A_123] : memref<32x4x5000xi32, #tpu.memory_space<hbm>> -> memref<1x1x5000xi32, #tpu.memory_space<hbm>>
      %dma_start3A_125 = tpu.memref_squeeze %dma_start3A_124 : memref<1x1x5000xi32, #tpu.memory_space<hbm>> -> memref<5000xi32, #tpu.memory_space<hbm>>
      tpu.enqueue_dma source(%dma_start3A_125 : memref<5000xi32, #tpu.memory_space<hbm>>) target(%arg6 : memref<5000xi32, #tpu.memory_space<vmem>>) target_semaphore(%run_scoped3A_119 : memref<!tpu.dma_semaphore, #tpu.memory_space<semaphore_mem>>)
      %dma_wait3A_126 = arith.constant 0 : i32
      %dma_wait3A_127 = tpu.memref_slice %arg3[%add3A, %run_scoped3A_3, %dma_wait3A_126] : memref<32x4x5000xi32, #tpu.memory_space<hbm>> -> memref<1x1x5000xi32, #tpu.memory_space<hbm>>
      %dma_wait3A_128 = tpu.memref_squeeze %dma_wait3A_127 : memref<1x1x5000xi32, #tpu.memory_space<hbm>> -> memref<5000xi32, #tpu.memory_space<hbm>>
      %dma_wait3A_129 = arith.constant 0 : i32
      %dma_wait3A_130 = tpu.memref_slice %arg3[%add3A, %run_scoped3A_3, %dma_wait3A_129] : memref<32x4x5000xi32, #tpu.memory_space<hbm>> -> memref<1x1x5000xi32, #tpu.memory_space<hbm>>
      %dma_wait3A_131 = tpu.memref_squeeze %dma_wait3A_130 : memref<1x1x5000xi32, #tpu.memory_space<hbm>> -> memref<5000xi32, #tpu.memory_space<hbm>>
      tpu.wait_dma2 semaphore(%run_scoped3A_119 : memref<!tpu.dma_semaphore, #tpu.memory_space<semaphore_mem>>) src(%dma_wait3A_131 : memref<5000xi32, #tpu.memory_space<hbm>>) dst(%arg6 : memref<5000xi32, #tpu.memory_space<vmem>>)
      tpu.yield
    }) : () -> ()
    %run_scoped3A_4 = arith.constant 2 : i32
    "tpu.region"() ({
      %run_scoped3A_119 = tpu.sem_alloc : memref<!tpu.dma_semaphore, #tpu.memory_space<semaphore_mem>>
      %dma_start3A_120 = arith.constant 0 : i32
      %dma_start3A_121 = tpu.memref_slice %arg3[%add3A, %run_scoped3A_4, %dma_start3A_120] : memref<32x4x5000xi32, #tpu.memory_space<hbm>> -> memref<1x1x5000xi32, #tpu.memory_space<hbm>>
      %dma_start3A_122 = tpu.memref_squeeze %dma_start3A_121 : memref<1x1x5000xi32, #tpu.memory_space<hbm>> -> memref<5000xi32, #tpu.memory_space<hbm>>
      %dma_start3A_123 = arith.constant 0 : i32
      %dma_start3A_124 = tpu.memref_slice %arg3[%add3A, %run_scoped3A_4, %dma_start3A_123] : memref<32x4x5000xi32, #tpu.memory_space<hbm>> -> memref<1x1x5000xi32, #tpu.memory_space<hbm>>
      %dma_start3A_125 = tpu.memref_squeeze %dma_start3A_124 : memref<1x1x5000xi32, #tpu.memory_space<hbm>> -> memref<5000xi32, #tpu.memory_space<hbm>>
      tpu.enqueue_dma source(%dma_start3A_125 : memref<5000xi32, #tpu.memory_space<hbm>>) target(%arg7 : memref<5000xi32, #tpu.memory_space<vmem>>) target_semaphore(%run_scoped3A_119 : memref<!tpu.dma_semaphore, #tpu.memory_space<semaphore_mem>>)
      %dma_wait3A_126 = arith.constant 0 : i32
      %dma_wait3A_127 = tpu.memref_slice %arg3[%add3A, %run_scoped3A_4, %dma_wait3A_126] : memref<32x4x5000xi32, #tpu.memory_space<hbm>> -> memref<1x1x5000xi32, #tpu.memory_space<hbm>>
      %dma_wait3A_128 = tpu.memref_squeeze %dma_wait3A_127 : memref<1x1x5000xi32, #tpu.memory_space<hbm>> -> memref<5000xi32, #tpu.memory_space<hbm>>
      %dma_wait3A_129 = arith.constant 0 : i32
      %dma_wait3A_130 = tpu.memref_slice %arg3[%add3A, %run_scoped3A_4, %dma_wait3A_129] : memref<32x4x5000xi32, #tpu.memory_space<hbm>> -> memref<1x1x5000xi32, #tpu.memory_space<hbm>>
      %dma_wait3A_131 = tpu.memref_squeeze %dma_wait3A_130 : memref<1x1x5000xi32, #tpu.memory_space<hbm>> -> memref<5000xi32, #tpu.memory_space<hbm>>
      tpu.wait_dma2 semaphore(%run_scoped3A_119 : memref<!tpu.dma_semaphore, #tpu.memory_space<semaphore_mem>>) src(%dma_wait3A_131 : memref<5000xi32, #tpu.memory_space<hbm>>) dst(%arg7 : memref<5000xi32, #tpu.memory_space<vmem>>)
      tpu.yield
    }) : () -> ()
    %run_scoped3A_5 = arith.constant 3 : i32
    "tpu.region"() ({
      %run_scoped3A_119 = tpu.sem_alloc : memref<!tpu.dma_semaphore, #tpu.memory_space<semaphore_mem>>
      %dma_start3A_120 = arith.constant 0 : i32
      %dma_start3A_121 = tpu.memref_slice %arg3[%add3A, %run_scoped3A_5, %dma_start3A_120] : memref<32x4x5000xi32, #tpu.memory_space<hbm>> -> memref<1x1x5000xi32, #tpu.memory_space<hbm>>
      %dma_start3A_122 = tpu.memref_squeeze %dma_start3A_121 : memref<1x1x5000xi32, #tpu.memory_space<hbm>> -> memref<5000xi32, #tpu.memory_space<hbm>>
      %dma_start3A_123 = arith.constant 0 : i32
      %dma_start3A_124 = tpu.memref_slice %arg3[%add3A, %run_scoped3A_5, %dma_start3A_123] : memref<32x4x5000xi32, #tpu.memory_space<hbm>> -> memref<1x1x5000xi32, #tpu.memory_space<hbm>>
      %dma_start3A_125 = tpu.memref_squeeze %dma_start3A_124 : memref<1x1x5000xi32, #tpu.memory_space<hbm>> -> memref<5000xi32, #tpu.memory_space<hbm>>
      tpu.enqueue_dma source(%dma_start3A_125 : memref<5000xi32, #tpu.memory_space<hbm>>) target(%arg8 : memref<5000xi32, #tpu.memory_space<vmem>>) target_semaphore(%run_scoped3A_119 : memref<!tpu.dma_semaphore, #tpu.memory_space<semaphore_mem>>)
      %dma_wait3A_126 = arith.constant 0 : i32
      %dma_wait3A_127 = tpu.memref_slice %arg3[%add3A, %run_scoped3A_5, %dma_wait3A_126] : memref<32x4x5000xi32, #tpu.memory_space<hbm>> -> memref<1x1x5000xi32, #tpu.memory_space<hbm>>
      %dma_wait3A_128 = tpu.memref_squeeze %dma_wait3A_127 : memref<1x1x5000xi32, #tpu.memory_space<hbm>> -> memref<5000xi32, #tpu.memory_space<hbm>>
      %dma_wait3A_129 = arith.constant 0 : i32
      %dma_wait3A_130 = tpu.memref_slice %arg3[%add3A, %run_scoped3A_5, %dma_wait3A_129] : memref<32x4x5000xi32, #tpu.memory_space<hbm>> -> memref<1x1x5000xi32, #tpu.memory_space<hbm>>
      %dma_wait3A_131 = tpu.memref_squeeze %dma_wait3A_130 : memref<1x1x5000xi32, #tpu.memory_space<hbm>> -> memref<5000xi32, #tpu.memory_space<hbm>>
      tpu.wait_dma2 semaphore(%run_scoped3A_119 : memref<!tpu.dma_semaphore, #tpu.memory_space<semaphore_mem>>) src(%dma_wait3A_131 : memref<5000xi32, #tpu.memory_space<hbm>>) dst(%arg8 : memref<5000xi32, #tpu.memory_space<vmem>>)
      tpu.yield
    }) : () -> ()
    %dma_start3A = arith.constant 0 : i32
    %dma_start3A_6 = arith.constant 0 : i32
    %dma_start3A_7 = arith.constant 0 : i32
    %dma_start3A_8 = tpu.memref_slice %arg9[%dma_start3A, %dma_start3A_6, %dma_start3A_7] : memref<4x40x128xf32, #tpu.memory_space<vmem>> -> memref<1x40x128xf32, #tpu.memory_space<vmem>>
    %dma_start3A_9 = tpu.memref_squeeze %dma_start3A_8 : memref<1x40x128xf32, #tpu.memory_space<vmem>> -> memref<40x128xf32, #tpu.memory_space<vmem>>
    %dma_start3A_10 = arith.constant 0 : i32
    %dma_start3A_11 = tpu.memref_slice %arg5[%dma_start3A_10] : memref<5000xi32, #tpu.memory_space<vmem>> -> memref<40xi32, #tpu.memory_space<vmem>>
    %dma_start3A_12 = arith.constant 0 : i32
    %dma_start3A_13 = arith.constant 0 : i32
    %dma_start3A_14 = tpu.memref_slice %arg2[%dma_start3A_12, %dma_start3A_13] : memref<160000x128xf32, #tpu.memory_space<hbm>> -> memref<160000x128xf32, #tpu.memory_space<hbm>>
    tpu.enqueue_indirect_dma source(%dma_start3A_14 : memref<160000x128xf32, #tpu.memory_space<hbm>>) target(%dma_start3A_9 : memref<40x128xf32, #tpu.memory_space<vmem>>) offsets(%dma_start3A_11 : memref<40xi32, #tpu.memory_space<vmem>>) semaphore(%arg11 : memref<!tpu.dma_semaphore, #tpu.memory_space<semaphore_mem>>)
    %dma_start3A_15 = arith.constant 1 : i32
    %dma_start3A_16 = arith.constant 0 : i32
    %dma_start3A_17 = arith.constant 0 : i32
    %dma_start3A_18 = tpu.memref_slice %arg9[%dma_start3A_15, %dma_start3A_16, %dma_start3A_17] : memref<4x40x128xf32, #tpu.memory_space<vmem>> -> memref<1x40x128xf32, #tpu.memory_space<vmem>>
    %dma_start3A_19 = tpu.memref_squeeze %dma_start3A_18 : memref<1x40x128xf32, #tpu.memory_space<vmem>> -> memref<40x128xf32, #tpu.memory_space<vmem>>
    %dma_start3A_20 = arith.constant 0 : i32
    %dma_start3A_21 = tpu.memref_slice %arg6[%dma_start3A_20] : memref<5000xi32, #tpu.memory_space<vmem>> -> memref<40xi32, #tpu.memory_space<vmem>>
    %dma_start3A_22 = arith.constant 0 : i32
    %dma_start3A_23 = arith.constant 0 : i32
    %dma_start3A_24 = tpu.memref_slice %arg2[%dma_start3A_22, %dma_start3A_23] : memref<160000x128xf32, #tpu.memory_space<hbm>> -> memref<160000x128xf32, #tpu.memory_space<hbm>>
    tpu.enqueue_indirect_dma source(%dma_start3A_24 : memref<160000x128xf32, #tpu.memory_space<hbm>>) target(%dma_start3A_19 : memref<40x128xf32, #tpu.memory_space<vmem>>) offsets(%dma_start3A_21 : memref<40xi32, #tpu.memory_space<vmem>>) semaphore(%arg11 : memref<!tpu.dma_semaphore, #tpu.memory_space<semaphore_mem>>)
    %dma_start3A_25 = arith.constant 2 : i32
    %dma_start3A_26 = arith.constant 0 : i32
    %dma_start3A_27 = arith.constant 0 : i32
    %dma_start3A_28 = tpu.memref_slice %arg9[%dma_start3A_25, %dma_start3A_26, %dma_start3A_27] : memref<4x40x128xf32, #tpu.memory_space<vmem>> -> memref<1x40x128xf32, #tpu.memory_space<vmem>>
    %dma_start3A_29 = tpu.memref_squeeze %dma_start3A_28 : memref<1x40x128xf32, #tpu.memory_space<vmem>> -> memref<40x128xf32, #tpu.memory_space<vmem>>
    %dma_start3A_30 = arith.constant 0 : i32
    %dma_start3A_31 = tpu.memref_slice %arg7[%dma_start3A_30] : memref<5000xi32, #tpu.memory_space<vmem>> -> memref<40xi32, #tpu.memory_space<vmem>>
    %dma_start3A_32 = arith.constant 0 : i32
    %dma_start3A_33 = arith.constant 0 : i32
    %dma_start3A_34 = tpu.memref_slice %arg2[%dma_start3A_32, %dma_start3A_33] : memref<160000x128xf32, #tpu.memory_space<hbm>> -> memref<160000x128xf32, #tpu.memory_space<hbm>>
    tpu.enqueue_indirect_dma source(%dma_start3A_34 : memref<160000x128xf32, #tpu.memory_space<hbm>>) target(%dma_start3A_29 : memref<40x128xf32, #tpu.memory_space<vmem>>) offsets(%dma_start3A_31 : memref<40xi32, #tpu.memory_space<vmem>>) semaphore(%arg11 : memref<!tpu.dma_semaphore, #tpu.memory_space<semaphore_mem>>)
    %dma_start3A_35 = arith.constant 3 : i32
    %dma_start3A_36 = arith.constant 0 : i32
    %dma_start3A_37 = arith.constant 0 : i32
    %dma_start3A_38 = tpu.memref_slice %arg9[%dma_start3A_35, %dma_start3A_36, %dma_start3A_37] : memref<4x40x128xf32, #tpu.memory_space<vmem>> -> memref<1x40x128xf32, #tpu.memory_space<vmem>>
    %dma_start3A_39 = tpu.memref_squeeze %dma_start3A_38 : memref<1x40x128xf32, #tpu.memory_space<vmem>> -> memref<40x128xf32, #tpu.memory_space<vmem>>
    %dma_start3A_40 = arith.constant 0 : i32
    %dma_start3A_41 = tpu.memref_slice %arg8[%dma_start3A_40] : memref<5000xi32, #tpu.memory_space<vmem>> -> memref<40xi32, #tpu.memory_space<vmem>>
    %dma_start3A_42 = arith.constant 0 : i32
    %dma_start3A_43 = arith.constant 0 : i32
    %dma_start3A_44 = tpu.memref_slice %arg2[%dma_start3A_42, %dma_start3A_43] : memref<160000x128xf32, #tpu.memory_space<hbm>> -> memref<160000x128xf32, #tpu.memory_space<hbm>>
    tpu.enqueue_indirect_dma source(%dma_start3A_44 : memref<160000x128xf32, #tpu.memory_space<hbm>>) target(%dma_start3A_39 : memref<40x128xf32, #tpu.memory_space<vmem>>) offsets(%dma_start3A_41 : memref<40xi32, #tpu.memory_space<vmem>>) semaphore(%arg11 : memref<!tpu.dma_semaphore, #tpu.memory_space<semaphore_mem>>)
    %scan3A = arith.constant 0 : i32
    %scan3A_45 = arith.constant 0 : i32
    %scan3A_46 = arith.constant 62 : i32
    %scan3A_47 = arith.addi %scan3A_45, %scan3A_46 : i32
    %scan3A_48 = arith.constant 1 : i32
    scf.for %scan3A_119 = %scan3A_45 to %scan3A_47 step %scan3A_48  : i32 {
      %mul3A_120 = arith.constant 2 : i32
      %mul3A_121 = arith.muli %scan3A_119, %mul3A_120 : i32
      %dma_wait3A_122 = arith.constant 0 : i32
      %dma_wait3A_123 = arith.constant 0 : i32
      %dma_wait3A_124 = arith.constant 0 : i32
      %dma_wait3A_125 = tpu.memref_slice %arg9[%dma_wait3A_122, %dma_wait3A_123, %dma_wait3A_124] : memref<4x40x128xf32, #tpu.memory_space<vmem>> -> memref<1x40x128xf32, #tpu.memory_space<vmem>>
      %dma_wait3A_126 = tpu.memref_squeeze %dma_wait3A_125 : memref<1x40x128xf32, #tpu.memory_space<vmem>> -> memref<40x128xf32, #tpu.memory_space<vmem>>
      %dma_wait3A_127 = arith.constant 0 : i32
      %dma_wait3A_128 = arith.constant 0 : i32
      %dma_wait3A_129 = tpu.memref_slice %arg2[%dma_wait3A_127, %dma_wait3A_128] : memref<160000x128xf32, #tpu.memory_space<hbm>> -> memref<40x128xf32, #tpu.memory_space<hbm>>
      %dma_wait3A_130 = arith.constant 0 : i32
      %dma_wait3A_131 = arith.constant 0 : i32
      %dma_wait3A_132 = tpu.memref_slice %arg9[%dma_wait3A_122, %dma_wait3A_130, %dma_wait3A_131] : memref<4x40x128xf32, #tpu.memory_space<vmem>> -> memref<1x40x128xf32, #tpu.memory_space<vmem>>
      %dma_wait3A_133 = tpu.memref_squeeze %dma_wait3A_132 : memref<1x40x128xf32, #tpu.memory_space<vmem>> -> memref<40x128xf32, #tpu.memory_space<vmem>>
      %dma_wait3A_134 = arith.constant 0 : i32
      %dma_wait3A_135 = arith.constant 0 : i32
      %dma_wait3A_136 = tpu.memref_slice %arg2[%dma_wait3A_134, %dma_wait3A_135] : memref<160000x128xf32, #tpu.memory_space<hbm>> -> memref<40x128xf32, #tpu.memory_space<hbm>>
      tpu.wait_dma2 semaphore(%arg11 : memref<!tpu.dma_semaphore, #tpu.memory_space<semaphore_mem>>) src(%dma_wait3A_136 : memref<40x128xf32, #tpu.memory_space<hbm>>) dst(%dma_wait3A_133 : memref<40x128xf32, #tpu.memory_space<vmem>>)
      %dma_wait3A_137 = arith.constant 1 : i32
      %dma_wait3A_138 = arith.constant 0 : i32
      %dma_wait3A_139 = arith.constant 0 : i32
      %dma_wait3A_140 = tpu.memref_slice %arg9[%dma_wait3A_137, %dma_wait3A_138, %dma_wait3A_139] : memref<4x40x128xf32, #tpu.memory_space<vmem>> -> memref<1x40x128xf32, #tpu.memory_space<vmem>>
      %dma_wait3A_141 = tpu.memref_squeeze %dma_wait3A_140 : memref<1x40x128xf32, #tpu.memory_space<vmem>> -> memref<40x128xf32, #tpu.memory_space<vmem>>
      %dma_wait3A_142 = arith.constant 0 : i32
      %dma_wait3A_143 = arith.constant 0 : i32
      %dma_wait3A_144 = tpu.memref_slice %arg2[%dma_wait3A_142, %dma_wait3A_143] : memref<160000x128xf32, #tpu.memory_space<hbm>> -> memref<40x128xf32, #tpu.memory_space<hbm>>
      %dma_wait3A_145 = arith.constant 0 : i32
      %dma_wait3A_146 = arith.constant 0 : i32
      %dma_wait3A_147 = tpu.memref_slice %arg9[%dma_wait3A_137, %dma_wait3A_145, %dma_wait3A_146] : memref<4x40x128xf32, #tpu.memory_space<vmem>> -> memref<1x40x128xf32, #tpu.memory_space<vmem>>
      %dma_wait3A_148 = tpu.memref_squeeze %dma_wait3A_147 : memref<1x40x128xf32, #tpu.memory_space<vmem>> -> memref<40x128xf32, #tpu.memory_space<vmem>>
      %dma_wait3A_149 = arith.constant 0 : i32
      %dma_wait3A_150 = arith.constant 0 : i32
      %dma_wait3A_151 = tpu.memref_slice %arg2[%dma_wait3A_149, %dma_wait3A_150] : memref<160000x128xf32, #tpu.memory_space<hbm>> -> memref<40x128xf32, #tpu.memory_space<hbm>>
      tpu.wait_dma2 semaphore(%arg11 : memref<!tpu.dma_semaphore, #tpu.memory_space<semaphore_mem>>) src(%dma_wait3A_151 : memref<40x128xf32, #tpu.memory_space<hbm>>) dst(%dma_wait3A_148 : memref<40x128xf32, #tpu.memory_space<vmem>>)
      %dma_wait3A_152 = arith.constant 2 : i32
      %dma_wait3A_153 = arith.constant 0 : i32
      %dma_wait3A_154 = arith.constant 0 : i32
      %dma_wait3A_155 = tpu.memref_slice %arg9[%dma_wait3A_152, %dma_wait3A_153, %dma_wait3A_154] : memref<4x40x128xf32, #tpu.memory_space<vmem>> -> memref<1x40x128xf32, #tpu.memory_space<vmem>>
      %dma_wait3A_156 = tpu.memref_squeeze %dma_wait3A_155 : memref<1x40x128xf32, #tpu.memory_space<vmem>> -> memref<40x128xf32, #tpu.memory_space<vmem>>
      %dma_wait3A_157 = arith.constant 0 : i32
      %dma_wait3A_158 = arith.constant 0 : i32
      %dma_wait3A_159 = tpu.memref_slice %arg2[%dma_wait3A_157, %dma_wait3A_158] : memref<160000x128xf32, #tpu.memory_space<hbm>> -> memref<40x128xf32, #tpu.memory_space<hbm>>
      %dma_wait3A_160 = arith.constant 0 : i32
      %dma_wait3A_161 = arith.constant 0 : i32
      %dma_wait3A_162 = tpu.memref_slice %arg9[%dma_wait3A_152, %dma_wait3A_160, %dma_wait3A_161] : memref<4x40x128xf32, #tpu.memory_space<vmem>> -> memref<1x40x128xf32, #tpu.memory_space<vmem>>
      %dma_wait3A_163 = tpu.memref_squeeze %dma_wait3A_162 : memref<1x40x128xf32, #tpu.memory_space<vmem>> -> memref<40x128xf32, #tpu.memory_space<vmem>>
      %dma_wait3A_164 = arith.constant 0 : i32
      %dma_wait3A_165 = arith.constant 0 : i32
      %dma_wait3A_166 = tpu.memref_slice %arg2[%dma_wait3A_164, %dma_wait3A_165] : memref<160000x128xf32, #tpu.memory_space<hbm>> -> memref<40x128xf32, #tpu.memory_space<hbm>>
      tpu.wait_dma2 semaphore(%arg11 : memref<!tpu.dma_semaphore, #tpu.memory_space<semaphore_mem>>) src(%dma_wait3A_166 : memref<40x128xf32, #tpu.memory_space<hbm>>) dst(%dma_wait3A_163 : memref<40x128xf32, #tpu.memory_space<vmem>>)
      %dma_wait3A_167 = arith.constant 3 : i32
      %dma_wait3A_168 = arith.constant 0 : i32
      %dma_wait3A_169 = arith.constant 0 : i32
      %dma_wait3A_170 = tpu.memref_slice %arg9[%dma_wait3A_167, %dma_wait3A_168, %dma_wait3A_169] : memref<4x40x128xf32, #tpu.memory_space<vmem>> -> memref<1x40x128xf32, #tpu.memory_space<vmem>>
      %dma_wait3A_171 = tpu.memref_squeeze %dma_wait3A_170 : memref<1x40x128xf32, #tpu.memory_space<vmem>> -> memref<40x128xf32, #tpu.memory_space<vmem>>
      %dma_wait3A_172 = arith.constant 0 : i32
      %dma_wait3A_173 = arith.constant 0 : i32
      %dma_wait3A_174 = tpu.memref_slice %arg2[%dma_wait3A_172, %dma_wait3A_173] : memref<160000x128xf32, #tpu.memory_space<hbm>> -> memref<40x128xf32, #tpu.memory_space<hbm>>
      %dma_wait3A_175 = arith.constant 0 : i32
      %dma_wait3A_176 = arith.constant 0 : i32
      %dma_wait3A_177 = tpu.memref_slice %arg9[%dma_wait3A_167, %dma_wait3A_175, %dma_wait3A_176] : memref<4x40x128xf32, #tpu.memory_space<vmem>> -> memref<1x40x128xf32, #tpu.memory_space<vmem>>
      %dma_wait3A_178 = tpu.memref_squeeze %dma_wait3A_177 : memref<1x40x128xf32, #tpu.memory_space<vmem>> -> memref<40x128xf32, #tpu.memory_space<vmem>>
      %dma_wait3A_179 = arith.constant 0 : i32
      %dma_wait3A_180 = arith.constant 0 : i32
      %dma_wait3A_181 = tpu.memref_slice %arg2[%dma_wait3A_179, %dma_wait3A_180] : memref<160000x128xf32, #tpu.memory_space<hbm>> -> memref<40x128xf32, #tpu.memory_space<hbm>>
      tpu.wait_dma2 semaphore(%arg11 : memref<!tpu.dma_semaphore, #tpu.memory_space<semaphore_mem>>) src(%dma_wait3A_181 : memref<40x128xf32, #tpu.memory_space<hbm>>) dst(%dma_wait3A_178 : memref<40x128xf32, #tpu.memory_space<vmem>>)
      %add3A_182 = arith.constant 1 : i32
      %add3A_183 = arith.addi %mul3A_121, %add3A_182 : i32
      %mul3A_184 = arith.constant 40 : i32
      %mul3A_185 = arith.muli %add3A_183, %mul3A_184 : i32
      %dma_start3A_186 = arith.constant 0 : i32
      %dma_start3A_187 = arith.constant 0 : i32
      %dma_start3A_188 = arith.constant 0 : i32
      %dma_start3A_189 = tpu.memref_slice %arg10[%dma_start3A_186, %dma_start3A_187, %dma_start3A_188] : memref<4x40x128xf32, #tpu.memory_space<vmem>> -> memref<1x40x128xf32, #tpu.memory_space<vmem>>
      %dma_start3A_190 = tpu.memref_squeeze %dma_start3A_189 : memref<1x40x128xf32, #tpu.memory_space<vmem>> -> memref<40x128xf32, #tpu.memory_space<vmem>>
      %dma_start3A_191 = tpu.memref_slice %arg5[%mul3A_185] : memref<5000xi32, #tpu.memory_space<vmem>> -> memref<40xi32, #tpu.memory_space<vmem>>
      %dma_start3A_192 = arith.constant 0 : i32
      %dma_start3A_193 = arith.constant 0 : i32
      %dma_start3A_194 = tpu.memref_slice %arg2[%dma_start3A_192, %dma_start3A_193] : memref<160000x128xf32, #tpu.memory_space<hbm>> -> memref<160000x128xf32, #tpu.memory_space<hbm>>
      tpu.enqueue_indirect_dma source(%dma_start3A_194 : memref<160000x128xf32, #tpu.memory_space<hbm>>) target(%dma_start3A_190 : memref<40x128xf32, #tpu.memory_space<vmem>>) offsets(%dma_start3A_191 : memref<40xi32, #tpu.memory_space<vmem>>) semaphore(%arg12 : memref<!tpu.dma_semaphore, #tpu.memory_space<semaphore_mem>>)
      %dma_start3A_195 = arith.constant 1 : i32
      %dma_start3A_196 = arith.constant 0 : i32
      %dma_start3A_197 = arith.constant 0 : i32
      %dma_start3A_198 = tpu.memref_slice %arg10[%dma_start3A_195, %dma_start3A_196, %dma_start3A_197] : memref<4x40x128xf32, #tpu.memory_space<vmem>> -> memref<1x40x128xf32, #tpu.memory_space<vmem>>
      %dma_start3A_199 = tpu.memref_squeeze %dma_start3A_198 : memref<1x40x128xf32, #tpu.memory_space<vmem>> -> memref<40x128xf32, #tpu.memory_space<vmem>>
      %dma_start3A_200 = tpu.memref_slice %arg6[%mul3A_185] : memref<5000xi32, #tpu.memory_space<vmem>> -> memref<40xi32, #tpu.memory_space<vmem>>
      %dma_start3A_201 = arith.constant 0 : i32
      %dma_start3A_202 = arith.constant 0 : i32
      %dma_start3A_203 = tpu.memref_slice %arg2[%dma_start3A_201, %dma_start3A_202] : memref<160000x128xf32, #tpu.memory_space<hbm>> -> memref<160000x128xf32, #tpu.memory_space<hbm>>
      tpu.enqueue_indirect_dma source(%dma_start3A_203 : memref<160000x128xf32, #tpu.memory_space<hbm>>) target(%dma_start3A_199 : memref<40x128xf32, #tpu.memory_space<vmem>>) offsets(%dma_start3A_200 : memref<40xi32, #tpu.memory_space<vmem>>) semaphore(%arg12 : memref<!tpu.dma_semaphore, #tpu.memory_space<semaphore_mem>>)
      %dma_start3A_204 = arith.constant 2 : i32
      %dma_start3A_205 = arith.constant 0 : i32
      %dma_start3A_206 = arith.constant 0 : i32
      %dma_start3A_207 = tpu.memref_slice %arg10[%dma_start3A_204, %dma_start3A_205, %dma_start3A_206] : memref<4x40x128xf32, #tpu.memory_space<vmem>> -> memref<1x40x128xf32, #tpu.memory_space<vmem>>
      %dma_start3A_208 = tpu.memref_squeeze %dma_start3A_207 : memref<1x40x128xf32, #tpu.memory_space<vmem>> -> memref<40x128xf32, #tpu.memory_space<vmem>>
      %dma_start3A_209 = tpu.memref_slice %arg7[%mul3A_185] : memref<5000xi32, #tpu.memory_space<vmem>> -> memref<40xi32, #tpu.memory_space<vmem>>
      %dma_start3A_210 = arith.constant 0 : i32
      %dma_start3A_211 = arith.constant 0 : i32
      %dma_start3A_212 = tpu.memref_slice %arg2[%dma_start3A_210, %dma_start3A_211] : memref<160000x128xf32, #tpu.memory_space<hbm>> -> memref<160000x128xf32, #tpu.memory_space<hbm>>
      tpu.enqueue_indirect_dma source(%dma_start3A_212 : memref<160000x128xf32, #tpu.memory_space<hbm>>) target(%dma_start3A_208 : memref<40x128xf32, #tpu.memory_space<vmem>>) offsets(%dma_start3A_209 : memref<40xi32, #tpu.memory_space<vmem>>) semaphore(%arg12 : memref<!tpu.dma_semaphore, #tpu.memory_space<semaphore_mem>>)
      %dma_start3A_213 = arith.constant 3 : i32
      %dma_start3A_214 = arith.constant 0 : i32
      %dma_start3A_215 = arith.constant 0 : i32
      %dma_start3A_216 = tpu.memref_slice %arg10[%dma_start3A_213, %dma_start3A_214, %dma_start3A_215] : memref<4x40x128xf32, #tpu.memory_space<vmem>> -> memref<1x40x128xf32, #tpu.memory_space<vmem>>
      %dma_start3A_217 = tpu.memref_squeeze %dma_start3A_216 : memref<1x40x128xf32, #tpu.memory_space<vmem>> -> memref<40x128xf32, #tpu.memory_space<vmem>>
      %dma_start3A_218 = tpu.memref_slice %arg8[%mul3A_185] : memref<5000xi32, #tpu.memory_space<vmem>> -> memref<40xi32, #tpu.memory_space<vmem>>
      %dma_start3A_219 = arith.constant 0 : i32
      %dma_start3A_220 = arith.constant 0 : i32
      %dma_start3A_221 = tpu.memref_slice %arg2[%dma_start3A_219, %dma_start3A_220] : memref<160000x128xf32, #tpu.memory_space<hbm>> -> memref<160000x128xf32, #tpu.memory_space<hbm>>
      tpu.enqueue_indirect_dma source(%dma_start3A_221 : memref<160000x128xf32, #tpu.memory_space<hbm>>) target(%dma_start3A_217 : memref<40x128xf32, #tpu.memory_space<vmem>>) offsets(%dma_start3A_218 : memref<40xi32, #tpu.memory_space<vmem>>) semaphore(%arg12 : memref<!tpu.dma_semaphore, #tpu.memory_space<semaphore_mem>>)
      %mul3A_222 = arith.constant 40 : i32
      %mul3A_223 = arith.muli %mul3A_121, %mul3A_222 : i32
      %add3A_224 = arith.addi %mul3A_2, %mul3A_223 : i32
      %run_scoped3A_225 = arith.constant 0 : i32
      %run_scoped3A_226 = arith.constant 0 : i32
      "tpu.region"() ({
        %run_scoped3A_346 = tpu.sem_alloc : memref<!tpu.dma_semaphore, #tpu.memory_space<semaphore_mem>>
        %dma_start3A_347 = arith.constant 0 : i32
        %dma_start3A_348 = arith.constant 0 : i32
        %dma_start3A_349 = tpu.memref_slice %arg9[%run_scoped3A_225, %dma_start3A_347, %dma_start3A_348] : memref<4x40x128xf32, #tpu.memory_space<vmem>> -> memref<1x40x128xf32, #tpu.memory_space<vmem>>
        %dma_start3A_350 = tpu.memref_squeeze %dma_start3A_349 : memref<1x40x128xf32, #tpu.memory_space<vmem>> -> memref<40x128xf32, #tpu.memory_space<vmem>>
        %dma_start3A_351 = arith.constant 0 : i32
        %dma_start3A_352 = tpu.memref_slice %arg4[%run_scoped3A_226, %add3A_224, %dma_start3A_351] : memref<4x160000x128xf32, #tpu.memory_space<hbm>> -> memref<1x40x128xf32, #tpu.memory_space<hbm>>
        %dma_start3A_353 = tpu.memref_squeeze %dma_start3A_352 : memref<1x40x128xf32, #tpu.memory_space<hbm>> -> memref<40x128xf32, #tpu.memory_space<hbm>>
        %dma_start3A_354 = arith.constant 0 : i32
        %dma_start3A_355 = tpu.memref_slice %arg4[%run_scoped3A_226, %add3A_224, %dma_start3A_354] : memref<4x160000x128xf32, #tpu.memory_space<hbm>> -> memref<1x40x128xf32, #tpu.memory_space<hbm>>
        %dma_start3A_356 = tpu.memref_squeeze %dma_start3A_355 : memref<1x40x128xf32, #tpu.memory_space<hbm>> -> memref<40x128xf32, #tpu.memory_space<hbm>>
        %dma_start3A_357 = arith.constant 0 : i32
        %dma_start3A_358 = arith.constant 0 : i32
        %dma_start3A_359 = tpu.memref_slice %arg9[%run_scoped3A_225, %dma_start3A_357, %dma_start3A_358] : memref<4x40x128xf32, #tpu.memory_space<vmem>> -> memref<1x40x128xf32, #tpu.memory_space<vmem>>
        %dma_start3A_360 = tpu.memref_squeeze %dma_start3A_359 : memref<1x40x128xf32, #tpu.memory_space<vmem>> -> memref<40x128xf32, #tpu.memory_space<vmem>>
        tpu.enqueue_dma source(%dma_start3A_360 : memref<40x128xf32, #tpu.memory_space<vmem>>) target(%dma_start3A_356 : memref<40x128xf32, #tpu.memory_space<hbm>>) target_semaphore(%run_scoped3A_346 : memref<!tpu.dma_semaphore, #tpu.memory_space<semaphore_mem>>)
        %dma_wait3A_361 = arith.constant 0 : i32
        %dma_wait3A_362 = arith.constant 0 : i32
        %dma_wait3A_363 = tpu.memref_slice %arg9[%run_scoped3A_225, %dma_wait3A_361, %dma_wait3A_362] : memref<4x40x128xf32, #tpu.memory_space<vmem>> -> memref<1x40x128xf32, #tpu.memory_space<vmem>>
        %dma_wait3A_364 = tpu.memref_squeeze %dma_wait3A_363 : memref<1x40x128xf32, #tpu.memory_space<vmem>> -> memref<40x128xf32, #tpu.memory_space<vmem>>
        %dma_wait3A_365 = arith.constant 0 : i32
        %dma_wait3A_366 = tpu.memref_slice %arg4[%run_scoped3A_226, %add3A_224, %dma_wait3A_365] : memref<4x160000x128xf32, #tpu.memory_space<hbm>> -> memref<1x40x128xf32, #tpu.memory_space<hbm>>
        %dma_wait3A_367 = tpu.memref_squeeze %dma_wait3A_366 : memref<1x40x128xf32, #tpu.memory_space<hbm>> -> memref<40x128xf32, #tpu.memory_space<hbm>>
        %dma_wait3A_368 = arith.constant 0 : i32
        %dma_wait3A_369 = tpu.memref_slice %arg4[%run_scoped3A_226, %add3A_224, %dma_wait3A_368] : memref<4x160000x128xf32, #tpu.memory_space<hbm>> -> memref<1x40x128xf32, #tpu.memory_space<hbm>>
        %dma_wait3A_370 = tpu.memref_squeeze %dma_wait3A_369 : memref<1x40x128xf32, #tpu.memory_space<hbm>> -> memref<40x128xf32, #tpu.memory_space<hbm>>
        %dma_wait3A_371 = arith.constant 0 : i32
        %dma_wait3A_372 = arith.constant 0 : i32
        %dma_wait3A_373 = tpu.memref_slice %arg9[%run_scoped3A_225, %dma_wait3A_371, %dma_wait3A_372] : memref<4x40x128xf32, #tpu.memory_space<vmem>> -> memref<1x40x128xf32, #tpu.memory_space<vmem>>
        %dma_wait3A_374 = tpu.memref_squeeze %dma_wait3A_373 : memref<1x40x128xf32, #tpu.memory_space<vmem>> -> memref<40x128xf32, #tpu.memory_space<vmem>>
        tpu.wait_dma2 semaphore(%run_scoped3A_346 : memref<!tpu.dma_semaphore, #tpu.memory_space<semaphore_mem>>) src(%dma_wait3A_374 : memref<40x128xf32, #tpu.memory_space<vmem>>) dst(%dma_wait3A_370 : memref<40x128xf32, #tpu.memory_space<hbm>>)
        tpu.yield
      }) : () -> ()
      %run_scoped3A_227 = arith.constant 1 : i32
      %run_scoped3A_228 = arith.constant 1 : i32
      "tpu.region"() ({
        %run_scoped3A_346 = tpu.sem_alloc : memref<!tpu.dma_semaphore, #tpu.memory_space<semaphore_mem>>
        %dma_start3A_347 = arith.constant 0 : i32
        %dma_start3A_348 = arith.constant 0 : i32
        %dma_start3A_349 = tpu.memref_slice %arg9[%run_scoped3A_227, %dma_start3A_347, %dma_start3A_348] : memref<4x40x128xf32, #tpu.memory_space<vmem>> -> memref<1x40x128xf32, #tpu.memory_space<vmem>>
        %dma_start3A_350 = tpu.memref_squeeze %dma_start3A_349 : memref<1x40x128xf32, #tpu.memory_space<vmem>> -> memref<40x128xf32, #tpu.memory_space<vmem>>
        %dma_start3A_351 = arith.constant 0 : i32
        %dma_start3A_352 = tpu.memref_slice %arg4[%run_scoped3A_228, %add3A_224, %dma_start3A_351] : memref<4x160000x128xf32, #tpu.memory_space<hbm>> -> memref<1x40x128xf32, #tpu.memory_space<hbm>>
        %dma_start3A_353 = tpu.memref_squeeze %dma_start3A_352 : memref<1x40x128xf32, #tpu.memory_space<hbm>> -> memref<40x128xf32, #tpu.memory_space<hbm>>
        %dma_start3A_354 = arith.constant 0 : i32
        %dma_start3A_355 = tpu.memref_slice %arg4[%run_scoped3A_228, %add3A_224, %dma_start3A_354] : memref<4x160000x128xf32, #tpu.memory_space<hbm>> -> memref<1x40x128xf32, #tpu.memory_space<hbm>>
        %dma_start3A_356 = tpu.memref_squeeze %dma_start3A_355 : memref<1x40x128xf32, #tpu.memory_space<hbm>> -> memref<40x128xf32, #tpu.memory_space<hbm>>
        %dma_start3A_357 = arith.constant 0 : i32
        %dma_start3A_358 = arith.constant 0 : i32
        %dma_start3A_359 = tpu.memref_slice %arg9[%run_scoped3A_227, %dma_start3A_357, %dma_start3A_358] : memref<4x40x128xf32, #tpu.memory_space<vmem>> -> memref<1x40x128xf32, #tpu.memory_space<vmem>>
        %dma_start3A_360 = tpu.memref_squeeze %dma_start3A_359 : memref<1x40x128xf32, #tpu.memory_space<vmem>> -> memref<40x128xf32, #tpu.memory_space<vmem>>
        tpu.enqueue_dma source(%dma_start3A_360 : memref<40x128xf32, #tpu.memory_space<vmem>>) target(%dma_start3A_356 : memref<40x128xf32, #tpu.memory_space<hbm>>) target_semaphore(%run_scoped3A_346 : memref<!tpu.dma_semaphore, #tpu.memory_space<semaphore_mem>>)
        %dma_wait3A_361 = arith.constant 0 : i32
        %dma_wait3A_362 = arith.constant 0 : i32
        %dma_wait3A_363 = tpu.memref_slice %arg9[%run_scoped3A_227, %dma_wait3A_361, %dma_wait3A_362] : memref<4x40x128xf32, #tpu.memory_space<vmem>> -> memref<1x40x128xf32, #tpu.memory_space<vmem>>
        %dma_wait3A_364 = tpu.memref_squeeze %dma_wait3A_363 : memref<1x40x128xf32, #tpu.memory_space<vmem>> -> memref<40x128xf32, #tpu.memory_space<vmem>>
        %dma_wait3A_365 = arith.constant 0 : i32
        %dma_wait3A_366 = tpu.memref_slice %arg4[%run_scoped3A_228, %add3A_224, %dma_wait3A_365] : memref<4x160000x128xf32, #tpu.memory_space<hbm>> -> memref<1x40x128xf32, #tpu.memory_space<hbm>>
        %dma_wait3A_367 = tpu.memref_squeeze %dma_wait3A_366 : memref<1x40x128xf32, #tpu.memory_space<hbm>> -> memref<40x128xf32, #tpu.memory_space<hbm>>
        %dma_wait3A_368 = arith.constant 0 : i32
        %dma_wait3A_369 = tpu.memref_slice %arg4[%run_scoped3A_228, %add3A_224, %dma_wait3A_368] : memref<4x160000x128xf32, #tpu.memory_space<hbm>> -> memref<1x40x128xf32, #tpu.memory_space<hbm>>
        %dma_wait3A_370 = tpu.memref_squeeze %dma_wait3A_369 : memref<1x40x128xf32, #tpu.memory_space<hbm>> -> memref<40x128xf32, #tpu.memory_space<hbm>>
        %dma_wait3A_371 = arith.constant 0 : i32
        %dma_wait3A_372 = arith.constant 0 : i32
        %dma_wait3A_373 = tpu.memref_slice %arg9[%run_scoped3A_227, %dma_wait3A_371, %dma_wait3A_372] : memref<4x40x128xf32, #tpu.memory_space<vmem>> -> memref<1x40x128xf32, #tpu.memory_space<vmem>>
        %dma_wait3A_374 = tpu.memref_squeeze %dma_wait3A_373 : memref<1x40x128xf32, #tpu.memory_space<vmem>> -> memref<40x128xf32, #tpu.memory_space<vmem>>
        tpu.wait_dma2 semaphore(%run_scoped3A_346 : memref<!tpu.dma_semaphore, #tpu.memory_space<semaphore_mem>>) src(%dma_wait3A_374 : memref<40x128xf32, #tpu.memory_space<vmem>>) dst(%dma_wait3A_370 : memref<40x128xf32, #tpu.memory_space<hbm>>)
        tpu.yield
      }) : () -> ()
      %run_scoped3A_229 = arith.constant 2 : i32
      %run_scoped3A_230 = arith.constant 2 : i32
      "tpu.region"() ({
        %run_scoped3A_346 = tpu.sem_alloc : memref<!tpu.dma_semaphore, #tpu.memory_space<semaphore_mem>>
        %dma_start3A_347 = arith.constant 0 : i32
        %dma_start3A_348 = arith.constant 0 : i32
        %dma_start3A_349 = tpu.memref_slice %arg9[%run_scoped3A_229, %dma_start3A_347, %dma_start3A_348] : memref<4x40x128xf32, #tpu.memory_space<vmem>> -> memref<1x40x128xf32, #tpu.memory_space<vmem>>
        %dma_start3A_350 = tpu.memref_squeeze %dma_start3A_349 : memref<1x40x128xf32, #tpu.memory_space<vmem>> -> memref<40x128xf32, #tpu.memory_space<vmem>>
        %dma_start3A_351 = arith.constant 0 : i32
        %dma_start3A_352 = tpu.memref_slice %arg4[%run_scoped3A_230, %add3A_224, %dma_start3A_351] : memref<4x160000x128xf32, #tpu.memory_space<hbm>> -> memref<1x40x128xf32, #tpu.memory_space<hbm>>
        %dma_start3A_353 = tpu.memref_squeeze %dma_start3A_352 : memref<1x40x128xf32, #tpu.memory_space<hbm>> -> memref<40x128xf32, #tpu.memory_space<hbm>>
        %dma_start3A_354 = arith.constant 0 : i32
        %dma_start3A_355 = tpu.memref_slice %arg4[%run_scoped3A_230, %add3A_224, %dma_start3A_354] : memref<4x160000x128xf32, #tpu.memory_space<hbm>> -> memref<1x40x128xf32, #tpu.memory_space<hbm>>
        %dma_start3A_356 = tpu.memref_squeeze %dma_start3A_355 : memref<1x40x128xf32, #tpu.memory_space<hbm>> -> memref<40x128xf32, #tpu.memory_space<hbm>>
        %dma_start3A_357 = arith.constant 0 : i32
        %dma_start3A_358 = arith.constant 0 : i32
        %dma_start3A_359 = tpu.memref_slice %arg9[%run_scoped3A_229, %dma_start3A_357, %dma_start3A_358] : memref<4x40x128xf32, #tpu.memory_space<vmem>> -> memref<1x40x128xf32, #tpu.memory_space<vmem>>
        %dma_start3A_360 = tpu.memref_squeeze %dma_start3A_359 : memref<1x40x128xf32, #tpu.memory_space<vmem>> -> memref<40x128xf32, #tpu.memory_space<vmem>>
        tpu.enqueue_dma source(%dma_start3A_360 : memref<40x128xf32, #tpu.memory_space<vmem>>) target(%dma_start3A_356 : memref<40x128xf32, #tpu.memory_space<hbm>>) target_semaphore(%run_scoped3A_346 : memref<!tpu.dma_semaphore, #tpu.memory_space<semaphore_mem>>)
        %dma_wait3A_361 = arith.constant 0 : i32
        %dma_wait3A_362 = arith.constant 0 : i32
        %dma_wait3A_363 = tpu.memref_slice %arg9[%run_scoped3A_229, %dma_wait3A_361, %dma_wait3A_362] : memref<4x40x128xf32, #tpu.memory_space<vmem>> -> memref<1x40x128xf32, #tpu.memory_space<vmem>>
        %dma_wait3A_364 = tpu.memref_squeeze %dma_wait3A_363 : memref<1x40x128xf32, #tpu.memory_space<vmem>> -> memref<40x128xf32, #tpu.memory_space<vmem>>
        %dma_wait3A_365 = arith.constant 0 : i32
        %dma_wait3A_366 = tpu.memref_slice %arg4[%run_scoped3A_230, %add3A_224, %dma_wait3A_365] : memref<4x160000x128xf32, #tpu.memory_space<hbm>> -> memref<1x40x128xf32, #tpu.memory_space<hbm>>
        %dma_wait3A_367 = tpu.memref_squeeze %dma_wait3A_366 : memref<1x40x128xf32, #tpu.memory_space<hbm>> -> memref<40x128xf32, #tpu.memory_space<hbm>>
        %dma_wait3A_368 = arith.constant 0 : i32
        %dma_wait3A_369 = tpu.memref_slice %arg4[%run_scoped3A_230, %add3A_224, %dma_wait3A_368] : memref<4x160000x128xf32, #tpu.memory_space<hbm>> -> memref<1x40x128xf32, #tpu.memory_space<hbm>>
        %dma_wait3A_370 = tpu.memref_squeeze %dma_wait3A_369 : memref<1x40x128xf32, #tpu.memory_space<hbm>> -> memref<40x128xf32, #tpu.memory_space<hbm>>
        %dma_wait3A_371 = arith.constant 0 : i32
        %dma_wait3A_372 = arith.constant 0 : i32
        %dma_wait3A_373 = tpu.memref_slice %arg9[%run_scoped3A_229, %dma_wait3A_371, %dma_wait3A_372] : memref<4x40x128xf32, #tpu.memory_space<vmem>> -> memref<1x40x128xf32, #tpu.memory_space<vmem>>
        %dma_wait3A_374 = tpu.memref_squeeze %dma_wait3A_373 : memref<1x40x128xf32, #tpu.memory_space<vmem>> -> memref<40x128xf32, #tpu.memory_space<vmem>>
        tpu.wait_dma2 semaphore(%run_scoped3A_346 : memref<!tpu.dma_semaphore, #tpu.memory_space<semaphore_mem>>) src(%dma_wait3A_374 : memref<40x128xf32, #tpu.memory_space<vmem>>) dst(%dma_wait3A_370 : memref<40x128xf32, #tpu.memory_space<hbm>>)
        tpu.yield
      }) : () -> ()
      %run_scoped3A_231 = arith.constant 3 : i32
      %run_scoped3A_232 = arith.constant 3 : i32
      "tpu.region"() ({
        %run_scoped3A_346 = tpu.sem_alloc : memref<!tpu.dma_semaphore, #tpu.memory_space<semaphore_mem>>
        %dma_start3A_347 = arith.constant 0 : i32
        %dma_start3A_348 = arith.constant 0 : i32
        %dma_start3A_349 = tpu.memref_slice %arg9[%run_scoped3A_231, %dma_start3A_347, %dma_start3A_348] : memref<4x40x128xf32, #tpu.memory_space<vmem>> -> memref<1x40x128xf32, #tpu.memory_space<vmem>>
        %dma_start3A_350 = tpu.memref_squeeze %dma_start3A_349 : memref<1x40x128xf32, #tpu.memory_space<vmem>> -> memref<40x128xf32, #tpu.memory_space<vmem>>
        %dma_start3A_351 = arith.constant 0 : i32
        %dma_start3A_352 = tpu.memref_slice %arg4[%run_scoped3A_232, %add3A_224, %dma_start3A_351] : memref<4x160000x128xf32, #tpu.memory_space<hbm>> -> memref<1x40x128xf32, #tpu.memory_space<hbm>>
        %dma_start3A_353 = tpu.memref_squeeze %dma_start3A_352 : memref<1x40x128xf32, #tpu.memory_space<hbm>> -> memref<40x128xf32, #tpu.memory_space<hbm>>
        %dma_start3A_354 = arith.constant 0 : i32
        %dma_start3A_355 = tpu.memref_slice %arg4[%run_scoped3A_232, %add3A_224, %dma_start3A_354] : memref<4x160000x128xf32, #tpu.memory_space<hbm>> -> memref<1x40x128xf32, #tpu.memory_space<hbm>>
        %dma_start3A_356 = tpu.memref_squeeze %dma_start3A_355 : memref<1x40x128xf32, #tpu.memory_space<hbm>> -> memref<40x128xf32, #tpu.memory_space<hbm>>
        %dma_start3A_357 = arith.constant 0 : i32
        %dma_start3A_358 = arith.constant 0 : i32
        %dma_start3A_359 = tpu.memref_slice %arg9[%run_scoped3A_231, %dma_start3A_357, %dma_start3A_358] : memref<4x40x128xf32, #tpu.memory_space<vmem>> -> memref<1x40x128xf32, #tpu.memory_space<vmem>>
        %dma_start3A_360 = tpu.memref_squeeze %dma_start3A_359 : memref<1x40x128xf32, #tpu.memory_space<vmem>> -> memref<40x128xf32, #tpu.memory_space<vmem>>
        tpu.enqueue_dma source(%dma_start3A_360 : memref<40x128xf32, #tpu.memory_space<vmem>>) target(%dma_start3A_356 : memref<40x128xf32, #tpu.memory_space<hbm>>) target_semaphore(%run_scoped3A_346 : memref<!tpu.dma_semaphore, #tpu.memory_space<semaphore_mem>>)
        %dma_wait3A_361 = arith.constant 0 : i32
        %dma_wait3A_362 = arith.constant 0 : i32
        %dma_wait3A_363 = tpu.memref_slice %arg9[%run_scoped3A_231, %dma_wait3A_361, %dma_wait3A_362] : memref<4x40x128xf32, #tpu.memory_space<vmem>> -> memref<1x40x128xf32, #tpu.memory_space<vmem>>
        %dma_wait3A_364 = tpu.memref_squeeze %dma_wait3A_363 : memref<1x40x128xf32, #tpu.memory_space<vmem>> -> memref<40x128xf32, #tpu.memory_space<vmem>>
        %dma_wait3A_365 = arith.constant 0 : i32
        %dma_wait3A_366 = tpu.memref_slice %arg4[%run_scoped3A_232, %add3A_224, %dma_wait3A_365] : memref<4x160000x128xf32, #tpu.memory_space<hbm>> -> memref<1x40x128xf32, #tpu.memory_space<hbm>>
        %dma_wait3A_367 = tpu.memref_squeeze %dma_wait3A_366 : memref<1x40x128xf32, #tpu.memory_space<hbm>> -> memref<40x128xf32, #tpu.memory_space<hbm>>
        %dma_wait3A_368 = arith.constant 0 : i32
        %dma_wait3A_369 = tpu.memref_slice %arg4[%run_scoped3A_232, %add3A_224, %dma_wait3A_368] : memref<4x160000x128xf32, #tpu.memory_space<hbm>> -> memref<1x40x128xf32, #tpu.memory_space<hbm>>
        %dma_wait3A_370 = tpu.memref_squeeze %dma_wait3A_369 : memref<1x40x128xf32, #tpu.memory_space<hbm>> -> memref<40x128xf32, #tpu.memory_space<hbm>>
        %dma_wait3A_371 = arith.constant 0 : i32
        %dma_wait3A_372 = arith.constant 0 : i32
        %dma_wait3A_373 = tpu.memref_slice %arg9[%run_scoped3A_231, %dma_wait3A_371, %dma_wait3A_372] : memref<4x40x128xf32, #tpu.memory_space<vmem>> -> memref<1x40x128xf32, #tpu.memory_space<vmem>>
        %dma_wait3A_374 = tpu.memref_squeeze %dma_wait3A_373 : memref<1x40x128xf32, #tpu.memory_space<vmem>> -> memref<40x128xf32, #tpu.memory_space<vmem>>
        tpu.wait_dma2 semaphore(%run_scoped3A_346 : memref<!tpu.dma_semaphore, #tpu.memory_space<semaphore_mem>>) src(%dma_wait3A_374 : memref<40x128xf32, #tpu.memory_space<vmem>>) dst(%dma_wait3A_370 : memref<40x128xf32, #tpu.memory_space<hbm>>)
        tpu.yield
      }) : () -> ()
      %dma_wait3A_233 = arith.constant 0 : i32
      %dma_wait3A_234 = arith.constant 0 : i32
      %dma_wait3A_235 = arith.constant 0 : i32
      %dma_wait3A_236 = tpu.memref_slice %arg10[%dma_wait3A_233, %dma_wait3A_234, %dma_wait3A_235] : memref<4x40x128xf32, #tpu.memory_space<vmem>> -> memref<1x40x128xf32, #tpu.memory_space<vmem>>
      %dma_wait3A_237 = tpu.memref_squeeze %dma_wait3A_236 : memref<1x40x128xf32, #tpu.memory_space<vmem>> -> memref<40x128xf32, #tpu.memory_space<vmem>>
      %dma_wait3A_238 = arith.constant 0 : i32
      %dma_wait3A_239 = arith.constant 0 : i32
      %dma_wait3A_240 = tpu.memref_slice %arg2[%dma_wait3A_238, %dma_wait3A_239] : memref<160000x128xf32, #tpu.memory_space<hbm>> -> memref<40x128xf32, #tpu.memory_space<hbm>>
      %dma_wait3A_241 = arith.constant 0 : i32
      %dma_wait3A_242 = arith.constant 0 : i32
      %dma_wait3A_243 = tpu.memref_slice %arg10[%dma_wait3A_233, %dma_wait3A_241, %dma_wait3A_242] : memref<4x40x128xf32, #tpu.memory_space<vmem>> -> memref<1x40x128xf32, #tpu.memory_space<vmem>>
      %dma_wait3A_244 = tpu.memref_squeeze %dma_wait3A_243 : memref<1x40x128xf32, #tpu.memory_space<vmem>> -> memref<40x128xf32, #tpu.memory_space<vmem>>
      %dma_wait3A_245 = arith.constant 0 : i32
      %dma_wait3A_246 = arith.constant 0 : i32
      %dma_wait3A_247 = tpu.memref_slice %arg2[%dma_wait3A_245, %dma_wait3A_246] : memref<160000x128xf32, #tpu.memory_space<hbm>> -> memref<40x128xf32, #tpu.memory_space<hbm>>
      tpu.wait_dma2 semaphore(%arg12 : memref<!tpu.dma_semaphore, #tpu.memory_space<semaphore_mem>>) src(%dma_wait3A_247 : memref<40x128xf32, #tpu.memory_space<hbm>>) dst(%dma_wait3A_244 : memref<40x128xf32, #tpu.memory_space<vmem>>)
      %dma_wait3A_248 = arith.constant 1 : i32
      %dma_wait3A_249 = arith.constant 0 : i32
      %dma_wait3A_250 = arith.constant 0 : i32
      %dma_wait3A_251 = tpu.memref_slice %arg10[%dma_wait3A_248, %dma_wait3A_249, %dma_wait3A_250] : memref<4x40x128xf32, #tpu.memory_space<vmem>> -> memref<1x40x128xf32, #tpu.memory_space<vmem>>
      %dma_wait3A_252 = tpu.memref_squeeze %dma_wait3A_251 : memref<1x40x128xf32, #tpu.memory_space<vmem>> -> memref<40x128xf32, #tpu.memory_space<vmem>>
      %dma_wait3A_253 = arith.constant 0 : i32
      %dma_wait3A_254 = arith.constant 0 : i32
      %dma_wait3A_255 = tpu.memref_slice %arg2[%dma_wait3A_253, %dma_wait3A_254] : memref<160000x128xf32, #tpu.memory_space<hbm>> -> memref<40x128xf32, #tpu.memory_space<hbm>>
      %dma_wait3A_256 = arith.constant 0 : i32
      %dma_wait3A_257 = arith.constant 0 : i32
      %dma_wait3A_258 = tpu.memref_slice %arg10[%dma_wait3A_248, %dma_wait3A_256, %dma_wait3A_257] : memref<4x40x128xf32, #tpu.memory_space<vmem>> -> memref<1x40x128xf32, #tpu.memory_space<vmem>>
      %dma_wait3A_259 = tpu.memref_squeeze %dma_wait3A_258 : memref<1x40x128xf32, #tpu.memory_space<vmem>> -> memref<40x128xf32, #tpu.memory_space<vmem>>
      %dma_wait3A_260 = arith.constant 0 : i32
      %dma_wait3A_261 = arith.constant 0 : i32
      %dma_wait3A_262 = tpu.memref_slice %arg2[%dma_wait3A_260, %dma_wait3A_261] : memref<160000x128xf32, #tpu.memory_space<hbm>> -> memref<40x128xf32, #tpu.memory_space<hbm>>
      tpu.wait_dma2 semaphore(%arg12 : memref<!tpu.dma_semaphore, #tpu.memory_space<semaphore_mem>>) src(%dma_wait3A_262 : memref<40x128xf32, #tpu.memory_space<hbm>>) dst(%dma_wait3A_259 : memref<40x128xf32, #tpu.memory_space<vmem>>)
      %dma_wait3A_263 = arith.constant 2 : i32
      %dma_wait3A_264 = arith.constant 0 : i32
      %dma_wait3A_265 = arith.constant 0 : i32
      %dma_wait3A_266 = tpu.memref_slice %arg10[%dma_wait3A_263, %dma_wait3A_264, %dma_wait3A_265] : memref<4x40x128xf32, #tpu.memory_space<vmem>> -> memref<1x40x128xf32, #tpu.memory_space<vmem>>
      %dma_wait3A_267 = tpu.memref_squeeze %dma_wait3A_266 : memref<1x40x128xf32, #tpu.memory_space<vmem>> -> memref<40x128xf32, #tpu.memory_space<vmem>>
      %dma_wait3A_268 = arith.constant 0 : i32
      %dma_wait3A_269 = arith.constant 0 : i32
      %dma_wait3A_270 = tpu.memref_slice %arg2[%dma_wait3A_268, %dma_wait3A_269] : memref<160000x128xf32, #tpu.memory_space<hbm>> -> memref<40x128xf32, #tpu.memory_space<hbm>>
      %dma_wait3A_271 = arith.constant 0 : i32
      %dma_wait3A_272 = arith.constant 0 : i32
      %dma_wait3A_273 = tpu.memref_slice %arg10[%dma_wait3A_263, %dma_wait3A_271, %dma_wait3A_272] : memref<4x40x128xf32, #tpu.memory_space<vmem>> -> memref<1x40x128xf32, #tpu.memory_space<vmem>>
      %dma_wait3A_274 = tpu.memref_squeeze %dma_wait3A_273 : memref<1x40x128xf32, #tpu.memory_space<vmem>> -> memref<40x128xf32, #tpu.memory_space<vmem>>
      %dma_wait3A_275 = arith.constant 0 : i32
      %dma_wait3A_276 = arith.constant 0 : i32
      %dma_wait3A_277 = tpu.memref_slice %arg2[%dma_wait3A_275, %dma_wait3A_276] : memref<160000x128xf32, #tpu.memory_space<hbm>> -> memref<40x128xf32, #tpu.memory_space<hbm>>
      tpu.wait_dma2 semaphore(%arg12 : memref<!tpu.dma_semaphore, #tpu.memory_space<semaphore_mem>>) src(%dma_wait3A_277 : memref<40x128xf32, #tpu.memory_space<hbm>>) dst(%dma_wait3A_274 : memref<40x128xf32, #tpu.memory_space<vmem>>)
      %dma_wait3A_278 = arith.constant 3 : i32
      %dma_wait3A_279 = arith.constant 0 : i32
      %dma_wait3A_280 = arith.constant 0 : i32
      %dma_wait3A_281 = tpu.memref_slice %arg10[%dma_wait3A_278, %dma_wait3A_279, %dma_wait3A_280] : memref<4x40x128xf32, #tpu.memory_space<vmem>> -> memref<1x40x128xf32, #tpu.memory_space<vmem>>
      %dma_wait3A_282 = tpu.memref_squeeze %dma_wait3A_281 : memref<1x40x128xf32, #tpu.memory_space<vmem>> -> memref<40x128xf32, #tpu.memory_space<vmem>>
      %dma_wait3A_283 = arith.constant 0 : i32
      %dma_wait3A_284 = arith.constant 0 : i32
      %dma_wait3A_285 = tpu.memref_slice %arg2[%dma_wait3A_283, %dma_wait3A_284] : memref<160000x128xf32, #tpu.memory_space<hbm>> -> memref<40x128xf32, #tpu.memory_space<hbm>>
      %dma_wait3A_286 = arith.constant 0 : i32
      %dma_wait3A_287 = arith.constant 0 : i32
      %dma_wait3A_288 = tpu.memref_slice %arg10[%dma_wait3A_278, %dma_wait3A_286, %dma_wait3A_287] : memref<4x40x128xf32, #tpu.memory_space<vmem>> -> memref<1x40x128xf32, #tpu.memory_space<vmem>>
      %dma_wait3A_289 = tpu.memref_squeeze %dma_wait3A_288 : memref<1x40x128xf32, #tpu.memory_space<vmem>> -> memref<40x128xf32, #tpu.memory_space<vmem>>
      %dma_wait3A_290 = arith.constant 0 : i32
      %dma_wait3A_291 = arith.constant 0 : i32
      %dma_wait3A_292 = tpu.memref_slice %arg2[%dma_wait3A_290, %dma_wait3A_291] : memref<160000x128xf32, #tpu.memory_space<hbm>> -> memref<40x128xf32, #tpu.memory_space<hbm>>
      tpu.wait_dma2 semaphore(%arg12 : memref<!tpu.dma_semaphore, #tpu.memory_space<semaphore_mem>>) src(%dma_wait3A_292 : memref<40x128xf32, #tpu.memory_space<hbm>>) dst(%dma_wait3A_289 : memref<40x128xf32, #tpu.memory_space<vmem>>)
      %add3A_293 = arith.constant 2 : i32
      %add3A_294 = arith.addi %mul3A_121, %add3A_293 : i32
      %mul3A_295 = arith.constant 40 : i32
      %mul3A_296 = arith.muli %add3A_294, %mul3A_295 : i32
      %dma_start3A_297 = arith.constant 0 : i32
      %dma_start3A_298 = arith.constant 0 : i32
      %dma_start3A_299 = arith.constant 0 : i32
      %dma_start3A_300 = tpu.memref_slice %arg9[%dma_start3A_297, %dma_start3A_298, %dma_start3A_299] : memref<4x40x128xf32, #tpu.memory_space<vmem>> -> memref<1x40x128xf32, #tpu.memory_space<vmem>>
      %dma_start3A_301 = tpu.memref_squeeze %dma_start3A_300 : memref<1x40x128xf32, #tpu.memory_space<vmem>> -> memref<40x128xf32, #tpu.memory_space<vmem>>
      %dma_start3A_302 = tpu.memref_slice %arg5[%mul3A_296] : memref<5000xi32, #tpu.memory_space<vmem>> -> memref<40xi32, #tpu.memory_space<vmem>>
      %dma_start3A_303 = arith.constant 0 : i32
      %dma_start3A_304 = arith.constant 0 : i32
      %dma_start3A_305 = tpu.memref_slice %arg2[%dma_start3A_303, %dma_start3A_304] : memref<160000x128xf32, #tpu.memory_space<hbm>> -> memref<160000x128xf32, #tpu.memory_space<hbm>>
      tpu.enqueue_indirect_dma source(%dma_start3A_305 : memref<160000x128xf32, #tpu.memory_space<hbm>>) target(%dma_start3A_301 : memref<40x128xf32, #tpu.memory_space<vmem>>) offsets(%dma_start3A_302 : memref<40xi32, #tpu.memory_space<vmem>>) semaphore(%arg11 : memref<!tpu.dma_semaphore, #tpu.memory_space<semaphore_mem>>)
      %dma_start3A_306 = arith.constant 1 : i32
      %dma_start3A_307 = arith.constant 0 : i32
      %dma_start3A_308 = arith.constant 0 : i32
      %dma_start3A_309 = tpu.memref_slice %arg9[%dma_start3A_306, %dma_start3A_307, %dma_start3A_308] : memref<4x40x128xf32, #tpu.memory_space<vmem>> -> memref<1x40x128xf32, #tpu.memory_space<vmem>>
      %dma_start3A_310 = tpu.memref_squeeze %dma_start3A_309 : memref<1x40x128xf32, #tpu.memory_space<vmem>> -> memref<40x128xf32, #tpu.memory_space<vmem>>
      %dma_start3A_311 = tpu.memref_slice %arg6[%mul3A_296] : memref<5000xi32, #tpu.memory_space<vmem>> -> memref<40xi32, #tpu.memory_space<vmem>>
      %dma_start3A_312 = arith.constant 0 : i32
      %dma_start3A_313 = arith.constant 0 : i32
      %dma_start3A_314 = tpu.memref_slice %arg2[%dma_start3A_312, %dma_start3A_313] : memref<160000x128xf32, #tpu.memory_space<hbm>> -> memref<160000x128xf32, #tpu.memory_space<hbm>>
      tpu.enqueue_indirect_dma source(%dma_start3A_314 : memref<160000x128xf32, #tpu.memory_space<hbm>>) target(%dma_start3A_310 : memref<40x128xf32, #tpu.memory_space<vmem>>) offsets(%dma_start3A_311 : memref<40xi32, #tpu.memory_space<vmem>>) semaphore(%arg11 : memref<!tpu.dma_semaphore, #tpu.memory_space<semaphore_mem>>)
      %dma_start3A_315 = arith.constant 2 : i32
      %dma_start3A_316 = arith.constant 0 : i32
      %dma_start3A_317 = arith.constant 0 : i32
      %dma_start3A_318 = tpu.memref_slice %arg9[%dma_start3A_315, %dma_start3A_316, %dma_start3A_317] : memref<4x40x128xf32, #tpu.memory_space<vmem>> -> memref<1x40x128xf32, #tpu.memory_space<vmem>>
      %dma_start3A_319 = tpu.memref_squeeze %dma_start3A_318 : memref<1x40x128xf32, #tpu.memory_space<vmem>> -> memref<40x128xf32, #tpu.memory_space<vmem>>
      %dma_start3A_320 = tpu.memref_slice %arg7[%mul3A_296] : memref<5000xi32, #tpu.memory_space<vmem>> -> memref<40xi32, #tpu.memory_space<vmem>>
      %dma_start3A_321 = arith.constant 0 : i32
      %dma_start3A_322 = arith.constant 0 : i32
      %dma_start3A_323 = tpu.memref_slice %arg2[%dma_start3A_321, %dma_start3A_322] : memref<160000x128xf32, #tpu.memory_space<hbm>> -> memref<160000x128xf32, #tpu.memory_space<hbm>>
      tpu.enqueue_indirect_dma source(%dma_start3A_323 : memref<160000x128xf32, #tpu.memory_space<hbm>>) target(%dma_start3A_319 : memref<40x128xf32, #tpu.memory_space<vmem>>) offsets(%dma_start3A_320 : memref<40xi32, #tpu.memory_space<vmem>>) semaphore(%arg11 : memref<!tpu.dma_semaphore, #tpu.memory_space<semaphore_mem>>)
      %dma_start3A_324 = arith.constant 3 : i32
      %dma_start3A_325 = arith.constant 0 : i32
      %dma_start3A_326 = arith.constant 0 : i32
      %dma_start3A_327 = tpu.memref_slice %arg9[%dma_start3A_324, %dma_start3A_325, %dma_start3A_326] : memref<4x40x128xf32, #tpu.memory_space<vmem>> -> memref<1x40x128xf32, #tpu.memory_space<vmem>>
      %dma_start3A_328 = tpu.memref_squeeze %dma_start3A_327 : memref<1x40x128xf32, #tpu.memory_space<vmem>> -> memref<40x128xf32, #tpu.memory_space<vmem>>
      %dma_start3A_329 = tpu.memref_slice %arg8[%mul3A_296] : memref<5000xi32, #tpu.memory_space<vmem>> -> memref<40xi32, #tpu.memory_space<vmem>>
      %dma_start3A_330 = arith.constant 0 : i32
      %dma_start3A_331 = arith.constant 0 : i32
      %dma_start3A_332 = tpu.memref_slice %arg2[%dma_start3A_330, %dma_start3A_331] : memref<160000x128xf32, #tpu.memory_space<hbm>> -> memref<160000x128xf32, #tpu.memory_space<hbm>>
      tpu.enqueue_indirect_dma source(%dma_start3A_332 : memref<160000x128xf32, #tpu.memory_space<hbm>>) target(%dma_start3A_328 : memref<40x128xf32, #tpu.memory_space<vmem>>) offsets(%dma_start3A_329 : memref<40xi32, #tpu.memory_space<vmem>>) semaphore(%arg11 : memref<!tpu.dma_semaphore, #tpu.memory_space<semaphore_mem>>)
      %add3A_333 = arith.constant 1 : i32
      %add3A_334 = arith.addi %mul3A_121, %add3A_333 : i32
      %mul3A_335 = arith.constant 40 : i32
      %mul3A_336 = arith.muli %add3A_334, %mul3A_335 : i32
      %add3A_337 = arith.addi %mul3A_2, %mul3A_336 : i32
      %run_scoped3A_338 = arith.constant 0 : i32
      %run_scoped3A_339 = arith.constant 0 : i32
      "tpu.region"() ({
        %run_scoped3A_346 = tpu.sem_alloc : memref<!tpu.dma_semaphore, #tpu.memory_space<semaphore_mem>>
        %dma_start3A_347 = arith.constant 0 : i32
        %dma_start3A_348 = arith.constant 0 : i32
        %dma_start3A_349 = tpu.memref_slice %arg10[%run_scoped3A_338, %dma_start3A_347, %dma_start3A_348] : memref<4x40x128xf32, #tpu.memory_space<vmem>> -> memref<1x40x128xf32, #tpu.memory_space<vmem>>
        %dma_start3A_350 = tpu.memref_squeeze %dma_start3A_349 : memref<1x40x128xf32, #tpu.memory_space<vmem>> -> memref<40x128xf32, #tpu.memory_space<vmem>>
        %dma_start3A_351 = arith.constant 0 : i32
        %dma_start3A_352 = tpu.memref_slice %arg4[%run_scoped3A_339, %add3A_337, %dma_start3A_351] : memref<4x160000x128xf32, #tpu.memory_space<hbm>> -> memref<1x40x128xf32, #tpu.memory_space<hbm>>
        %dma_start3A_353 = tpu.memref_squeeze %dma_start3A_352 : memref<1x40x128xf32, #tpu.memory_space<hbm>> -> memref<40x128xf32, #tpu.memory_space<hbm>>
        %dma_start3A_354 = arith.constant 0 : i32
        %dma_start3A_355 = tpu.memref_slice %arg4[%run_scoped3A_339, %add3A_337, %dma_start3A_354] : memref<4x160000x128xf32, #tpu.memory_space<hbm>> -> memref<1x40x128xf32, #tpu.memory_space<hbm>>
        %dma_start3A_356 = tpu.memref_squeeze %dma_start3A_355 : memref<1x40x128xf32, #tpu.memory_space<hbm>> -> memref<40x128xf32, #tpu.memory_space<hbm>>
        %dma_start3A_357 = arith.constant 0 : i32
        %dma_start3A_358 = arith.constant 0 : i32
        %dma_start3A_359 = tpu.memref_slice %arg10[%run_scoped3A_338, %dma_start3A_357, %dma_start3A_358] : memref<4x40x128xf32, #tpu.memory_space<vmem>> -> memref<1x40x128xf32, #tpu.memory_space<vmem>>
        %dma_start3A_360 = tpu.memref_squeeze %dma_start3A_359 : memref<1x40x128xf32, #tpu.memory_space<vmem>> -> memref<40x128xf32, #tpu.memory_space<vmem>>
        tpu.enqueue_dma source(%dma_start3A_360 : memref<40x128xf32, #tpu.memory_space<vmem>>) target(%dma_start3A_356 : memref<40x128xf32, #tpu.memory_space<hbm>>) target_semaphore(%run_scoped3A_346 : memref<!tpu.dma_semaphore, #tpu.memory_space<semaphore_mem>>)
        %dma_wait3A_361 = arith.constant 0 : i32
        %dma_wait3A_362 = arith.constant 0 : i32
        %dma_wait3A_363 = tpu.memref_slice %arg10[%run_scoped3A_338, %dma_wait3A_361, %dma_wait3A_362] : memref<4x40x128xf32, #tpu.memory_space<vmem>> -> memref<1x40x128xf32, #tpu.memory_space<vmem>>
        %dma_wait3A_364 = tpu.memref_squeeze %dma_wait3A_363 : memref<1x40x128xf32, #tpu.memory_space<vmem>> -> memref<40x128xf32, #tpu.memory_space<vmem>>
        %dma_wait3A_365 = arith.constant 0 : i32
        %dma_wait3A_366 = tpu.memref_slice %arg4[%run_scoped3A_339, %add3A_337, %dma_wait3A_365] : memref<4x160000x128xf32, #tpu.memory_space<hbm>> -> memref<1x40x128xf32, #tpu.memory_space<hbm>>
        %dma_wait3A_367 = tpu.memref_squeeze %dma_wait3A_366 : memref<1x40x128xf32, #tpu.memory_space<hbm>> -> memref<40x128xf32, #tpu.memory_space<hbm>>
        %dma_wait3A_368 = arith.constant 0 : i32
        %dma_wait3A_369 = tpu.memref_slice %arg4[%run_scoped3A_339, %add3A_337, %dma_wait3A_368] : memref<4x160000x128xf32, #tpu.memory_space<hbm>> -> memref<1x40x128xf32, #tpu.memory_space<hbm>>
        %dma_wait3A_370 = tpu.memref_squeeze %dma_wait3A_369 : memref<1x40x128xf32, #tpu.memory_space<hbm>> -> memref<40x128xf32, #tpu.memory_space<hbm>>
        %dma_wait3A_371 = arith.constant 0 : i32
        %dma_wait3A_372 = arith.constant 0 : i32
        %dma_wait3A_373 = tpu.memref_slice %arg10[%run_scoped3A_338, %dma_wait3A_371, %dma_wait3A_372] : memref<4x40x128xf32, #tpu.memory_space<vmem>> -> memref<1x40x128xf32, #tpu.memory_space<vmem>>
        %dma_wait3A_374 = tpu.memref_squeeze %dma_wait3A_373 : memref<1x40x128xf32, #tpu.memory_space<vmem>> -> memref<40x128xf32, #tpu.memory_space<vmem>>
        tpu.wait_dma2 semaphore(%run_scoped3A_346 : memref<!tpu.dma_semaphore, #tpu.memory_space<semaphore_mem>>) src(%dma_wait3A_374 : memref<40x128xf32, #tpu.memory_space<vmem>>) dst(%dma_wait3A_370 : memref<40x128xf32, #tpu.memory_space<hbm>>)
        tpu.yield
      }) : () -> ()
      %run_scoped3A_340 = arith.constant 1 : i32
      %run_scoped3A_341 = arith.constant 1 : i32
      "tpu.region"() ({
        %run_scoped3A_346 = tpu.sem_alloc : memref<!tpu.dma_semaphore, #tpu.memory_space<semaphore_mem>>
        %dma_start3A_347 = arith.constant 0 : i32
        %dma_start3A_348 = arith.constant 0 : i32
        %dma_start3A_349 = tpu.memref_slice %arg10[%run_scoped3A_340, %dma_start3A_347, %dma_start3A_348] : memref<4x40x128xf32, #tpu.memory_space<vmem>> -> memref<1x40x128xf32, #tpu.memory_space<vmem>>
        %dma_start3A_350 = tpu.memref_squeeze %dma_start3A_349 : memref<1x40x128xf32, #tpu.memory_space<vmem>> -> memref<40x128xf32, #tpu.memory_space<vmem>>
        %dma_start3A_351 = arith.constant 0 : i32
        %dma_start3A_352 = tpu.memref_slice %arg4[%run_scoped3A_341, %add3A_337, %dma_start3A_351] : memref<4x160000x128xf32, #tpu.memory_space<hbm>> -> memref<1x40x128xf32, #tpu.memory_space<hbm>>
        %dma_start3A_353 = tpu.memref_squeeze %dma_start3A_352 : memref<1x40x128xf32, #tpu.memory_space<hbm>> -> memref<40x128xf32, #tpu.memory_space<hbm>>
        %dma_start3A_354 = arith.constant 0 : i32
        %dma_start3A_355 = tpu.memref_slice %arg4[%run_scoped3A_341, %add3A_337, %dma_start3A_354] : memref<4x160000x128xf32, #tpu.memory_space<hbm>> -> memref<1x40x128xf32, #tpu.memory_space<hbm>>
        %dma_start3A_356 = tpu.memref_squeeze %dma_start3A_355 : memref<1x40x128xf32, #tpu.memory_space<hbm>> -> memref<40x128xf32, #tpu.memory_space<hbm>>
        %dma_start3A_357 = arith.constant 0 : i32
        %dma_start3A_358 = arith.constant 0 : i32
        %dma_start3A_359 = tpu.memref_slice %arg10[%run_scoped3A_340, %dma_start3A_357, %dma_start3A_358] : memref<4x40x128xf32, #tpu.memory_space<vmem>> -> memref<1x40x128xf32, #tpu.memory_space<vmem>>
        %dma_start3A_360 = tpu.memref_squeeze %dma_start3A_359 : memref<1x40x128xf32, #tpu.memory_space<vmem>> -> memref<40x128xf32, #tpu.memory_space<vmem>>
        tpu.enqueue_dma source(%dma_start3A_360 : memref<40x128xf32, #tpu.memory_space<vmem>>) target(%dma_start3A_356 : memref<40x128xf32, #tpu.memory_space<hbm>>) target_semaphore(%run_scoped3A_346 : memref<!tpu.dma_semaphore, #tpu.memory_space<semaphore_mem>>)
        %dma_wait3A_361 = arith.constant 0 : i32
        %dma_wait3A_362 = arith.constant 0 : i32
        %dma_wait3A_363 = tpu.memref_slice %arg10[%run_scoped3A_340, %dma_wait3A_361, %dma_wait3A_362] : memref<4x40x128xf32, #tpu.memory_space<vmem>> -> memref<1x40x128xf32, #tpu.memory_space<vmem>>
        %dma_wait3A_364 = tpu.memref_squeeze %dma_wait3A_363 : memref<1x40x128xf32, #tpu.memory_space<vmem>> -> memref<40x128xf32, #tpu.memory_space<vmem>>
        %dma_wait3A_365 = arith.constant 0 : i32
        %dma_wait3A_366 = tpu.memref_slice %arg4[%run_scoped3A_341, %add3A_337, %dma_wait3A_365] : memref<4x160000x128xf32, #tpu.memory_space<hbm>> -> memref<1x40x128xf32, #tpu.memory_space<hbm>>
        %dma_wait3A_367 = tpu.memref_squeeze %dma_wait3A_366 : memref<1x40x128xf32, #tpu.memory_space<hbm>> -> memref<40x128xf32, #tpu.memory_space<hbm>>
        %dma_wait3A_368 = arith.constant 0 : i32
        %dma_wait3A_369 = tpu.memref_slice %arg4[%run_scoped3A_341, %add3A_337, %dma_wait3A_368] : memref<4x160000x128xf32, #tpu.memory_space<hbm>> -> memref<1x40x128xf32, #tpu.memory_space<hbm>>
        %dma_wait3A_370 = tpu.memref_squeeze %dma_wait3A_369 : memref<1x40x128xf32, #tpu.memory_space<hbm>> -> memref<40x128xf32, #tpu.memory_space<hbm>>
        %dma_wait3A_371 = arith.constant 0 : i32
        %dma_wait3A_372 = arith.constant 0 : i32
        %dma_wait3A_373 = tpu.memref_slice %arg10[%run_scoped3A_340, %dma_wait3A_371, %dma_wait3A_372] : memref<4x40x128xf32, #tpu.memory_space<vmem>> -> memref<1x40x128xf32, #tpu.memory_space<vmem>>
        %dma_wait3A_374 = tpu.memref_squeeze %dma_wait3A_373 : memref<1x40x128xf32, #tpu.memory_space<vmem>> -> memref<40x128xf32, #tpu.memory_space<vmem>>
        tpu.wait_dma2 semaphore(%run_scoped3A_346 : memref<!tpu.dma_semaphore, #tpu.memory_space<semaphore_mem>>) src(%dma_wait3A_374 : memref<40x128xf32, #tpu.memory_space<vmem>>) dst(%dma_wait3A_370 : memref<40x128xf32, #tpu.memory_space<hbm>>)
        tpu.yield
      }) : () -> ()
      %run_scoped3A_342 = arith.constant 2 : i32
      %run_scoped3A_343 = arith.constant 2 : i32
      "tpu.region"() ({
        %run_scoped3A_346 = tpu.sem_alloc : memref<!tpu.dma_semaphore, #tpu.memory_space<semaphore_mem>>
        %dma_start3A_347 = arith.constant 0 : i32
        %dma_start3A_348 = arith.constant 0 : i32
        %dma_start3A_349 = tpu.memref_slice %arg10[%run_scoped3A_342, %dma_start3A_347, %dma_start3A_348] : memref<4x40x128xf32, #tpu.memory_space<vmem>> -> memref<1x40x128xf32, #tpu.memory_space<vmem>>
        %dma_start3A_350 = tpu.memref_squeeze %dma_start3A_349 : memref<1x40x128xf32, #tpu.memory_space<vmem>> -> memref<40x128xf32, #tpu.memory_space<vmem>>
        %dma_start3A_351 = arith.constant 0 : i32
        %dma_start3A_352 = tpu.memref_slice %arg4[%run_scoped3A_343, %add3A_337, %dma_start3A_351] : memref<4x160000x128xf32, #tpu.memory_space<hbm>> -> memref<1x40x128xf32, #tpu.memory_space<hbm>>
        %dma_start3A_353 = tpu.memref_squeeze %dma_start3A_352 : memref<1x40x128xf32, #tpu.memory_space<hbm>> -> memref<40x128xf32, #tpu.memory_space<hbm>>
        %dma_start3A_354 = arith.constant 0 : i32
        %dma_start3A_355 = tpu.memref_slice %arg4[%run_scoped3A_343, %add3A_337, %dma_start3A_354] : memref<4x160000x128xf32, #tpu.memory_space<hbm>> -> memref<1x40x128xf32, #tpu.memory_space<hbm>>
        %dma_start3A_356 = tpu.memref_squeeze %dma_start3A_355 : memref<1x40x128xf32, #tpu.memory_space<hbm>> -> memref<40x128xf32, #tpu.memory_space<hbm>>
        %dma_start3A_357 = arith.constant 0 : i32
        %dma_start3A_358 = arith.constant 0 : i32
        %dma_start3A_359 = tpu.memref_slice %arg10[%run_scoped3A_342, %dma_start3A_357, %dma_start3A_358] : memref<4x40x128xf32, #tpu.memory_space<vmem>> -> memref<1x40x128xf32, #tpu.memory_space<vmem>>
        %dma_start3A_360 = tpu.memref_squeeze %dma_start3A_359 : memref<1x40x128xf32, #tpu.memory_space<vmem>> -> memref<40x128xf32, #tpu.memory_space<vmem>>
        tpu.enqueue_dma source(%dma_start3A_360 : memref<40x128xf32, #tpu.memory_space<vmem>>) target(%dma_start3A_356 : memref<40x128xf32, #tpu.memory_space<hbm>>) target_semaphore(%run_scoped3A_346 : memref<!tpu.dma_semaphore, #tpu.memory_space<semaphore_mem>>)
        %dma_wait3A_361 = arith.constant 0 : i32
        %dma_wait3A_362 = arith.constant 0 : i32
        %dma_wait3A_363 = tpu.memref_slice %arg10[%run_scoped3A_342, %dma_wait3A_361, %dma_wait3A_362] : memref<4x40x128xf32, #tpu.memory_space<vmem>> -> memref<1x40x128xf32, #tpu.memory_space<vmem>>
        %dma_wait3A_364 = tpu.memref_squeeze %dma_wait3A_363 : memref<1x40x128xf32, #tpu.memory_space<vmem>> -> memref<40x128xf32, #tpu.memory_space<vmem>>
        %dma_wait3A_365 = arith.constant 0 : i32
        %dma_wait3A_366 = tpu.memref_slice %arg4[%run_scoped3A_343, %add3A_337, %dma_wait3A_365] : memref<4x160000x128xf32, #tpu.memory_space<hbm>> -> memref<1x40x128xf32, #tpu.memory_space<hbm>>
        %dma_wait3A_367 = tpu.memref_squeeze %dma_wait3A_366 : memref<1x40x128xf32, #tpu.memory_space<hbm>> -> memref<40x128xf32, #tpu.memory_space<hbm>>
        %dma_wait3A_368 = arith.constant 0 : i32
        %dma_wait3A_369 = tpu.memref_slice %arg4[%run_scoped3A_343, %add3A_337, %dma_wait3A_368] : memref<4x160000x128xf32, #tpu.memory_space<hbm>> -> memref<1x40x128xf32, #tpu.memory_space<hbm>>
        %dma_wait3A_370 = tpu.memref_squeeze %dma_wait3A_369 : memref<1x40x128xf32, #tpu.memory_space<hbm>> -> memref<40x128xf32, #tpu.memory_space<hbm>>
        %dma_wait3A_371 = arith.constant 0 : i32
        %dma_wait3A_372 = arith.constant 0 : i32
        %dma_wait3A_373 = tpu.memref_slice %arg10[%run_scoped3A_342, %dma_wait3A_371, %dma_wait3A_372] : memref<4x40x128xf32, #tpu.memory_space<vmem>> -> memref<1x40x128xf32, #tpu.memory_space<vmem>>
        %dma_wait3A_374 = tpu.memref_squeeze %dma_wait3A_373 : memref<1x40x128xf32, #tpu.memory_space<vmem>> -> memref<40x128xf32, #tpu.memory_space<vmem>>
        tpu.wait_dma2 semaphore(%run_scoped3A_346 : memref<!tpu.dma_semaphore, #tpu.memory_space<semaphore_mem>>) src(%dma_wait3A_374 : memref<40x128xf32, #tpu.memory_space<vmem>>) dst(%dma_wait3A_370 : memref<40x128xf32, #tpu.memory_space<hbm>>)
        tpu.yield
      }) : () -> ()
      %run_scoped3A_344 = arith.constant 3 : i32
      %run_scoped3A_345 = arith.constant 3 : i32
      "tpu.region"() ({
        %run_scoped3A_346 = tpu.sem_alloc : memref<!tpu.dma_semaphore, #tpu.memory_space<semaphore_mem>>
        %dma_start3A_347 = arith.constant 0 : i32
        %dma_start3A_348 = arith.constant 0 : i32
        %dma_start3A_349 = tpu.memref_slice %arg10[%run_scoped3A_344, %dma_start3A_347, %dma_start3A_348] : memref<4x40x128xf32, #tpu.memory_space<vmem>> -> memref<1x40x128xf32, #tpu.memory_space<vmem>>
        %dma_start3A_350 = tpu.memref_squeeze %dma_start3A_349 : memref<1x40x128xf32, #tpu.memory_space<vmem>> -> memref<40x128xf32, #tpu.memory_space<vmem>>
        %dma_start3A_351 = arith.constant 0 : i32
        %dma_start3A_352 = tpu.memref_slice %arg4[%run_scoped3A_345, %add3A_337, %dma_start3A_351] : memref<4x160000x128xf32, #tpu.memory_space<hbm>> -> memref<1x40x128xf32, #tpu.memory_space<hbm>>
        %dma_start3A_353 = tpu.memref_squeeze %dma_start3A_352 : memref<1x40x128xf32, #tpu.memory_space<hbm>> -> memref<40x128xf32, #tpu.memory_space<hbm>>
        %dma_start3A_354 = arith.constant 0 : i32
        %dma_start3A_355 = tpu.memref_slice %arg4[%run_scoped3A_345, %add3A_337, %dma_start3A_354] : memref<4x160000x128xf32, #tpu.memory_space<hbm>> -> memref<1x40x128xf32, #tpu.memory_space<hbm>>
        %dma_start3A_356 = tpu.memref_squeeze %dma_start3A_355 : memref<1x40x128xf32, #tpu.memory_space<hbm>> -> memref<40x128xf32, #tpu.memory_space<hbm>>
        %dma_start3A_357 = arith.constant 0 : i32
        %dma_start3A_358 = arith.constant 0 : i32
        %dma_start3A_359 = tpu.memref_slice %arg10[%run_scoped3A_344, %dma_start3A_357, %dma_start3A_358] : memref<4x40x128xf32, #tpu.memory_space<vmem>> -> memref<1x40x128xf32, #tpu.memory_space<vmem>>
        %dma_start3A_360 = tpu.memref_squeeze %dma_start3A_359 : memref<1x40x128xf32, #tpu.memory_space<vmem>> -> memref<40x128xf32, #tpu.memory_space<vmem>>
        tpu.enqueue_dma source(%dma_start3A_360 : memref<40x128xf32, #tpu.memory_space<vmem>>) target(%dma_start3A_356 : memref<40x128xf32, #tpu.memory_space<hbm>>) target_semaphore(%run_scoped3A_346 : memref<!tpu.dma_semaphore, #tpu.memory_space<semaphore_mem>>)
        %dma_wait3A_361 = arith.constant 0 : i32
        %dma_wait3A_362 = arith.constant 0 : i32
        %dma_wait3A_363 = tpu.memref_slice %arg10[%run_scoped3A_344, %dma_wait3A_361, %dma_wait3A_362] : memref<4x40x128xf32, #tpu.memory_space<vmem>> -> memref<1x40x128xf32, #tpu.memory_space<vmem>>
        %dma_wait3A_364 = tpu.memref_squeeze %dma_wait3A_363 : memref<1x40x128xf32, #tpu.memory_space<vmem>> -> memref<40x128xf32, #tpu.memory_space<vmem>>
        %dma_wait3A_365 = arith.constant 0 : i32
        %dma_wait3A_366 = tpu.memref_slice %arg4[%run_scoped3A_345, %add3A_337, %dma_wait3A_365] : memref<4x160000x128xf32, #tpu.memory_space<hbm>> -> memref<1x40x128xf32, #tpu.memory_space<hbm>>
        %dma_wait3A_367 = tpu.memref_squeeze %dma_wait3A_366 : memref<1x40x128xf32, #tpu.memory_space<hbm>> -> memref<40x128xf32, #tpu.memory_space<hbm>>
        %dma_wait3A_368 = arith.constant 0 : i32
        %dma_wait3A_369 = tpu.memref_slice %arg4[%run_scoped3A_345, %add3A_337, %dma_wait3A_368] : memref<4x160000x128xf32, #tpu.memory_space<hbm>> -> memref<1x40x128xf32, #tpu.memory_space<hbm>>
        %dma_wait3A_370 = tpu.memref_squeeze %dma_wait3A_369 : memref<1x40x128xf32, #tpu.memory_space<hbm>> -> memref<40x128xf32, #tpu.memory_space<hbm>>
        %dma_wait3A_371 = arith.constant 0 : i32
        %dma_wait3A_372 = arith.constant 0 : i32
        %dma_wait3A_373 = tpu.memref_slice %arg10[%run_scoped3A_344, %dma_wait3A_371, %dma_wait3A_372] : memref<4x40x128xf32, #tpu.memory_space<vmem>> -> memref<1x40x128xf32, #tpu.memory_space<vmem>>
        %dma_wait3A_374 = tpu.memref_squeeze %dma_wait3A_373 : memref<1x40x128xf32, #tpu.memory_space<vmem>> -> memref<40x128xf32, #tpu.memory_space<vmem>>
        tpu.wait_dma2 semaphore(%run_scoped3A_346 : memref<!tpu.dma_semaphore, #tpu.memory_space<semaphore_mem>>) src(%dma_wait3A_374 : memref<40x128xf32, #tpu.memory_space<vmem>>) dst(%dma_wait3A_370 : memref<40x128xf32, #tpu.memory_space<hbm>>)
        tpu.yield
      }) : () -> ()
    }
    %scan3A_49 = arith.constant 62 : i32
    %dma_wait3A = arith.constant 0 : i32
    %dma_wait3A_50 = arith.constant 0 : i32
    %dma_wait3A_51 = arith.constant 0 : i32
    %dma_wait3A_52 = tpu.memref_slice %arg9[%dma_wait3A, %dma_wait3A_50, %dma_wait3A_51] : memref<4x40x128xf32, #tpu.memory_space<vmem>> -> memref<1x40x128xf32, #tpu.memory_space<vmem>>
    %dma_wait3A_53 = tpu.memref_squeeze %dma_wait3A_52 : memref<1x40x128xf32, #tpu.memory_space<vmem>> -> memref<40x128xf32, #tpu.memory_space<vmem>>
    %dma_wait3A_54 = arith.constant 0 : i32
    %dma_wait3A_55 = arith.constant 0 : i32
    %dma_wait3A_56 = tpu.memref_slice %arg2[%dma_wait3A_54, %dma_wait3A_55] : memref<160000x128xf32, #tpu.memory_space<hbm>> -> memref<40x128xf32, #tpu.memory_space<hbm>>
    %dma_wait3A_57 = arith.constant 0 : i32
    %dma_wait3A_58 = arith.constant 0 : i32
    %dma_wait3A_59 = tpu.memref_slice %arg9[%dma_wait3A, %dma_wait3A_57, %dma_wait3A_58] : memref<4x40x128xf32, #tpu.memory_space<vmem>> -> memref<1x40x128xf32, #tpu.memory_space<vmem>>
    %dma_wait3A_60 = tpu.memref_squeeze %dma_wait3A_59 : memref<1x40x128xf32, #tpu.memory_space<vmem>> -> memref<40x128xf32, #tpu.memory_space<vmem>>
    %dma_wait3A_61 = arith.constant 0 : i32
    %dma_wait3A_62 = arith.constant 0 : i32
    %dma_wait3A_63 = tpu.memref_slice %arg2[%dma_wait3A_61, %dma_wait3A_62] : memref<160000x128xf32, #tpu.memory_space<hbm>> -> memref<40x128xf32, #tpu.memory_space<hbm>>
    tpu.wait_dma2 semaphore(%arg11 : memref<!tpu.dma_semaphore, #tpu.memory_space<semaphore_mem>>) src(%dma_wait3A_63 : memref<40x128xf32, #tpu.memory_space<hbm>>) dst(%dma_wait3A_60 : memref<40x128xf32, #tpu.memory_space<vmem>>)
    %dma_wait3A_64 = arith.constant 1 : i32
    %dma_wait3A_65 = arith.constant 0 : i32
    %dma_wait3A_66 = arith.constant 0 : i32
    %dma_wait3A_67 = tpu.memref_slice %arg9[%dma_wait3A_64, %dma_wait3A_65, %dma_wait3A_66] : memref<4x40x128xf32, #tpu.memory_space<vmem>> -> memref<1x40x128xf32, #tpu.memory_space<vmem>>
    %dma_wait3A_68 = tpu.memref_squeeze %dma_wait3A_67 : memref<1x40x128xf32, #tpu.memory_space<vmem>> -> memref<40x128xf32, #tpu.memory_space<vmem>>
    %dma_wait3A_69 = arith.constant 0 : i32
    %dma_wait3A_70 = arith.constant 0 : i32
    %dma_wait3A_71 = tpu.memref_slice %arg2[%dma_wait3A_69, %dma_wait3A_70] : memref<160000x128xf32, #tpu.memory_space<hbm>> -> memref<40x128xf32, #tpu.memory_space<hbm>>
    %dma_wait3A_72 = arith.constant 0 : i32
    %dma_wait3A_73 = arith.constant 0 : i32
    %dma_wait3A_74 = tpu.memref_slice %arg9[%dma_wait3A_64, %dma_wait3A_72, %dma_wait3A_73] : memref<4x40x128xf32, #tpu.memory_space<vmem>> -> memref<1x40x128xf32, #tpu.memory_space<vmem>>
    %dma_wait3A_75 = tpu.memref_squeeze %dma_wait3A_74 : memref<1x40x128xf32, #tpu.memory_space<vmem>> -> memref<40x128xf32, #tpu.memory_space<vmem>>
    %dma_wait3A_76 = arith.constant 0 : i32
    %dma_wait3A_77 = arith.constant 0 : i32
    %dma_wait3A_78 = tpu.memref_slice %arg2[%dma_wait3A_76, %dma_wait3A_77] : memref<160000x128xf32, #tpu.memory_space<hbm>> -> memref<40x128xf32, #tpu.memory_space<hbm>>
    tpu.wait_dma2 semaphore(%arg11 : memref<!tpu.dma_semaphore, #tpu.memory_space<semaphore_mem>>) src(%dma_wait3A_78 : memref<40x128xf32, #tpu.memory_space<hbm>>) dst(%dma_wait3A_75 : memref<40x128xf32, #tpu.memory_space<vmem>>)
    %dma_wait3A_79 = arith.constant 2 : i32
    %dma_wait3A_80 = arith.constant 0 : i32
    %dma_wait3A_81 = arith.constant 0 : i32
    %dma_wait3A_82 = tpu.memref_slice %arg9[%dma_wait3A_79, %dma_wait3A_80, %dma_wait3A_81] : memref<4x40x128xf32, #tpu.memory_space<vmem>> -> memref<1x40x128xf32, #tpu.memory_space<vmem>>
    %dma_wait3A_83 = tpu.memref_squeeze %dma_wait3A_82 : memref<1x40x128xf32, #tpu.memory_space<vmem>> -> memref<40x128xf32, #tpu.memory_space<vmem>>
    %dma_wait3A_84 = arith.constant 0 : i32
    %dma_wait3A_85 = arith.constant 0 : i32
    %dma_wait3A_86 = tpu.memref_slice %arg2[%dma_wait3A_84, %dma_wait3A_85] : memref<160000x128xf32, #tpu.memory_space<hbm>> -> memref<40x128xf32, #tpu.memory_space<hbm>>
    %dma_wait3A_87 = arith.constant 0 : i32
    %dma_wait3A_88 = arith.constant 0 : i32
    %dma_wait3A_89 = tpu.memref_slice %arg9[%dma_wait3A_79, %dma_wait3A_87, %dma_wait3A_88] : memref<4x40x128xf32, #tpu.memory_space<vmem>> -> memref<1x40x128xf32, #tpu.memory_space<vmem>>
    %dma_wait3A_90 = tpu.memref_squeeze %dma_wait3A_89 : memref<1x40x128xf32, #tpu.memory_space<vmem>> -> memref<40x128xf32, #tpu.memory_space<vmem>>
    %dma_wait3A_91 = arith.constant 0 : i32
    %dma_wait3A_92 = arith.constant 0 : i32
    %dma_wait3A_93 = tpu.memref_slice %arg2[%dma_wait3A_91, %dma_wait3A_92] : memref<160000x128xf32, #tpu.memory_space<hbm>> -> memref<40x128xf32, #tpu.memory_space<hbm>>
    tpu.wait_dma2 semaphore(%arg11 : memref<!tpu.dma_semaphore, #tpu.memory_space<semaphore_mem>>) src(%dma_wait3A_93 : memref<40x128xf32, #tpu.memory_space<hbm>>) dst(%dma_wait3A_90 : memref<40x128xf32, #tpu.memory_space<vmem>>)
    %dma_wait3A_94 = arith.constant 3 : i32
    %dma_wait3A_95 = arith.constant 0 : i32
    %dma_wait3A_96 = arith.constant 0 : i32
    %dma_wait3A_97 = tpu.memref_slice %arg9[%dma_wait3A_94, %dma_wait3A_95, %dma_wait3A_96] : memref<4x40x128xf32, #tpu.memory_space<vmem>> -> memref<1x40x128xf32, #tpu.memory_space<vmem>>
    %dma_wait3A_98 = tpu.memref_squeeze %dma_wait3A_97 : memref<1x40x128xf32, #tpu.memory_space<vmem>> -> memref<40x128xf32, #tpu.memory_space<vmem>>
    %dma_wait3A_99 = arith.constant 0 : i32
    %dma_wait3A_100 = arith.constant 0 : i32
    %dma_wait3A_101 = tpu.memref_slice %arg2[%dma_wait3A_99, %dma_wait3A_100] : memref<160000x128xf32, #tpu.memory_space<hbm>> -> memref<40x128xf32, #tpu.memory_space<hbm>>
    %dma_wait3A_102 = arith.constant 0 : i32
    %dma_wait3A_103 = arith.constant 0 : i32
    %dma_wait3A_104 = tpu.memref_slice %arg9[%dma_wait3A_94, %dma_wait3A_102, %dma_wait3A_103] : memref<4x40x128xf32, #tpu.memory_space<vmem>> -> memref<1x40x128xf32, #tpu.memory_space<vmem>>
    %dma_wait3A_105 = tpu.memref_squeeze %dma_wait3A_104 : memref<1x40x128xf32, #tpu.memory_space<vmem>> -> memref<40x128xf32, #tpu.memory_space<vmem>>
    %dma_wait3A_106 = arith.constant 0 : i32
    %dma_wait3A_107 = arith.constant 0 : i32
    %dma_wait3A_108 = tpu.memref_slice %arg2[%dma_wait3A_106, %dma_wait3A_107] : memref<160000x128xf32, #tpu.memory_space<hbm>> -> memref<40x128xf32, #tpu.memory_space<hbm>>
    tpu.wait_dma2 semaphore(%arg11 : memref<!tpu.dma_semaphore, #tpu.memory_space<semaphore_mem>>) src(%dma_wait3A_108 : memref<40x128xf32, #tpu.memory_space<hbm>>) dst(%dma_wait3A_105 : memref<40x128xf32, #tpu.memory_space<vmem>>)
    %add3A_109 = arith.constant 4960 : i32
    %add3A_110 = arith.addi %mul3A_2, %add3A_109 : i32
    %run_scoped3A_111 = arith.constant 0 : i32
    %run_scoped3A_112 = arith.constant 0 : i32
    "tpu.region"() ({
      %run_scoped3A_119 = tpu.sem_alloc : memref<!tpu.dma_semaphore, #tpu.memory_space<semaphore_mem>>
      %dma_start3A_120 = arith.constant 0 : i32
      %dma_start3A_121 = arith.constant 0 : i32
      %dma_start3A_122 = tpu.memref_slice %arg9[%run_scoped3A_111, %dma_start3A_120, %dma_start3A_121] : memref<4x40x128xf32, #tpu.memory_space<vmem>> -> memref<1x40x128xf32, #tpu.memory_space<vmem>>
      %dma_start3A_123 = tpu.memref_squeeze %dma_start3A_122 : memref<1x40x128xf32, #tpu.memory_space<vmem>> -> memref<40x128xf32, #tpu.memory_space<vmem>>
      %dma_start3A_124 = arith.constant 0 : i32
      %dma_start3A_125 = tpu.memref_slice %arg4[%run_scoped3A_112, %add3A_110, %dma_start3A_124] : memref<4x160000x128xf32, #tpu.memory_space<hbm>> -> memref<1x40x128xf32, #tpu.memory_space<hbm>>
      %dma_start3A_126 = tpu.memref_squeeze %dma_start3A_125 : memref<1x40x128xf32, #tpu.memory_space<hbm>> -> memref<40x128xf32, #tpu.memory_space<hbm>>
      %dma_start3A_127 = arith.constant 0 : i32
      %dma_start3A_128 = tpu.memref_slice %arg4[%run_scoped3A_112, %add3A_110, %dma_start3A_127] : memref<4x160000x128xf32, #tpu.memory_space<hbm>> -> memref<1x40x128xf32, #tpu.memory_space<hbm>>
      %dma_start3A_129 = tpu.memref_squeeze %dma_start3A_128 : memref<1x40x128xf32, #tpu.memory_space<hbm>> -> memref<40x128xf32, #tpu.memory_space<hbm>>
      %dma_start3A_130 = arith.constant 0 : i32
      %dma_start3A_131 = arith.constant 0 : i32
      %dma_start3A_132 = tpu.memref_slice %arg9[%run_scoped3A_111, %dma_start3A_130, %dma_start3A_131] : memref<4x40x128xf32, #tpu.memory_space<vmem>> -> memref<1x40x128xf32, #tpu.memory_space<vmem>>
      %dma_start3A_133 = tpu.memref_squeeze %dma_start3A_132 : memref<1x40x128xf32, #tpu.memory_space<vmem>> -> memref<40x128xf32, #tpu.memory_space<vmem>>
      tpu.enqueue_dma source(%dma_start3A_133 : memref<40x128xf32, #tpu.memory_space<vmem>>) target(%dma_start3A_129 : memref<40x128xf32, #tpu.memory_space<hbm>>) target_semaphore(%run_scoped3A_119 : memref<!tpu.dma_semaphore, #tpu.memory_space<semaphore_mem>>)
      %dma_wait3A_134 = arith.constant 0 : i32
      %dma_wait3A_135 = arith.constant 0 : i32
      %dma_wait3A_136 = tpu.memref_slice %arg9[%run_scoped3A_111, %dma_wait3A_134, %dma_wait3A_135] : memref<4x40x128xf32, #tpu.memory_space<vmem>> -> memref<1x40x128xf32, #tpu.memory_space<vmem>>
      %dma_wait3A_137 = tpu.memref_squeeze %dma_wait3A_136 : memref<1x40x128xf32, #tpu.memory_space<vmem>> -> memref<40x128xf32, #tpu.memory_space<vmem>>
      %dma_wait3A_138 = arith.constant 0 : i32
      %dma_wait3A_139 = tpu.memref_slice %arg4[%run_scoped3A_112, %add3A_110, %dma_wait3A_138] : memref<4x160000x128xf32, #tpu.memory_space<hbm>> -> memref<1x40x128xf32, #tpu.memory_space<hbm>>
      %dma_wait3A_140 = tpu.memref_squeeze %dma_wait3A_139 : memref<1x40x128xf32, #tpu.memory_space<hbm>> -> memref<40x128xf32, #tpu.memory_space<hbm>>
      %dma_wait3A_141 = arith.constant 0 : i32
      %dma_wait3A_142 = tpu.memref_slice %arg4[%run_scoped3A_112, %add3A_110, %dma_wait3A_141] : memref<4x160000x128xf32, #tpu.memory_space<hbm>> -> memref<1x40x128xf32, #tpu.memory_space<hbm>>
      %dma_wait3A_143 = tpu.memref_squeeze %dma_wait3A_142 : memref<1x40x128xf32, #tpu.memory_space<hbm>> -> memref<40x128xf32, #tpu.memory_space<hbm>>
      %dma_wait3A_144 = arith.constant 0 : i32
      %dma_wait3A_145 = arith.constant 0 : i32
      %dma_wait3A_146 = tpu.memref_slice %arg9[%run_scoped3A_111, %dma_wait3A_144, %dma_wait3A_145] : memref<4x40x128xf32, #tpu.memory_space<vmem>> -> memref<1x40x128xf32, #tpu.memory_space<vmem>>
      %dma_wait3A_147 = tpu.memref_squeeze %dma_wait3A_146 : memref<1x40x128xf32, #tpu.memory_space<vmem>> -> memref<40x128xf32, #tpu.memory_space<vmem>>
      tpu.wait_dma2 semaphore(%run_scoped3A_119 : memref<!tpu.dma_semaphore, #tpu.memory_space<semaphore_mem>>) src(%dma_wait3A_147 : memref<40x128xf32, #tpu.memory_space<vmem>>) dst(%dma_wait3A_143 : memref<40x128xf32, #tpu.memory_space<hbm>>)
      tpu.yield
    }) : () -> ()
    %run_scoped3A_113 = arith.constant 1 : i32
    %run_scoped3A_114 = arith.constant 1 : i32
    "tpu.region"() ({
      %run_scoped3A_119 = tpu.sem_alloc : memref<!tpu.dma_semaphore, #tpu.memory_space<semaphore_mem>>
      %dma_start3A_120 = arith.constant 0 : i32
      %dma_start3A_121 = arith.constant 0 : i32
      %dma_start3A_122 = tpu.memref_slice %arg9[%run_scoped3A_113, %dma_start3A_120, %dma_start3A_121] : memref<4x40x128xf32, #tpu.memory_space<vmem>> -> memref<1x40x128xf32, #tpu.memory_space<vmem>>
      %dma_start3A_123 = tpu.memref_squeeze %dma_start3A_122 : memref<1x40x128xf32, #tpu.memory_space<vmem>> -> memref<40x128xf32, #tpu.memory_space<vmem>>
      %dma_start3A_124 = arith.constant 0 : i32
      %dma_start3A_125 = tpu.memref_slice %arg4[%run_scoped3A_114, %add3A_110, %dma_start3A_124] : memref<4x160000x128xf32, #tpu.memory_space<hbm>> -> memref<1x40x128xf32, #tpu.memory_space<hbm>>
      %dma_start3A_126 = tpu.memref_squeeze %dma_start3A_125 : memref<1x40x128xf32, #tpu.memory_space<hbm>> -> memref<40x128xf32, #tpu.memory_space<hbm>>
      %dma_start3A_127 = arith.constant 0 : i32
      %dma_start3A_128 = tpu.memref_slice %arg4[%run_scoped3A_114, %add3A_110, %dma_start3A_127] : memref<4x160000x128xf32, #tpu.memory_space<hbm>> -> memref<1x40x128xf32, #tpu.memory_space<hbm>>
      %dma_start3A_129 = tpu.memref_squeeze %dma_start3A_128 : memref<1x40x128xf32, #tpu.memory_space<hbm>> -> memref<40x128xf32, #tpu.memory_space<hbm>>
      %dma_start3A_130 = arith.constant 0 : i32
      %dma_start3A_131 = arith.constant 0 : i32
      %dma_start3A_132 = tpu.memref_slice %arg9[%run_scoped3A_113, %dma_start3A_130, %dma_start3A_131] : memref<4x40x128xf32, #tpu.memory_space<vmem>> -> memref<1x40x128xf32, #tpu.memory_space<vmem>>
      %dma_start3A_133 = tpu.memref_squeeze %dma_start3A_132 : memref<1x40x128xf32, #tpu.memory_space<vmem>> -> memref<40x128xf32, #tpu.memory_space<vmem>>
      tpu.enqueue_dma source(%dma_start3A_133 : memref<40x128xf32, #tpu.memory_space<vmem>>) target(%dma_start3A_129 : memref<40x128xf32, #tpu.memory_space<hbm>>) target_semaphore(%run_scoped3A_119 : memref<!tpu.dma_semaphore, #tpu.memory_space<semaphore_mem>>)
      %dma_wait3A_134 = arith.constant 0 : i32
      %dma_wait3A_135 = arith.constant 0 : i32
      %dma_wait3A_136 = tpu.memref_slice %arg9[%run_scoped3A_113, %dma_wait3A_134, %dma_wait3A_135] : memref<4x40x128xf32, #tpu.memory_space<vmem>> -> memref<1x40x128xf32, #tpu.memory_space<vmem>>
      %dma_wait3A_137 = tpu.memref_squeeze %dma_wait3A_136 : memref<1x40x128xf32, #tpu.memory_space<vmem>> -> memref<40x128xf32, #tpu.memory_space<vmem>>
      %dma_wait3A_138 = arith.constant 0 : i32
      %dma_wait3A_139 = tpu.memref_slice %arg4[%run_scoped3A_114, %add3A_110, %dma_wait3A_138] : memref<4x160000x128xf32, #tpu.memory_space<hbm>> -> memref<1x40x128xf32, #tpu.memory_space<hbm>>
      %dma_wait3A_140 = tpu.memref_squeeze %dma_wait3A_139 : memref<1x40x128xf32, #tpu.memory_space<hbm>> -> memref<40x128xf32, #tpu.memory_space<hbm>>
      %dma_wait3A_141 = arith.constant 0 : i32
      %dma_wait3A_142 = tpu.memref_slice %arg4[%run_scoped3A_114, %add3A_110, %dma_wait3A_141] : memref<4x160000x128xf32, #tpu.memory_space<hbm>> -> memref<1x40x128xf32, #tpu.memory_space<hbm>>
      %dma_wait3A_143 = tpu.memref_squeeze %dma_wait3A_142 : memref<1x40x128xf32, #tpu.memory_space<hbm>> -> memref<40x128xf32, #tpu.memory_space<hbm>>
      %dma_wait3A_144 = arith.constant 0 : i32
      %dma_wait3A_145 = arith.constant 0 : i32
      %dma_wait3A_146 = tpu.memref_slice %arg9[%run_scoped3A_113, %dma_wait3A_144, %dma_wait3A_145] : memref<4x40x128xf32, #tpu.memory_space<vmem>> -> memref<1x40x128xf32, #tpu.memory_space<vmem>>
      %dma_wait3A_147 = tpu.memref_squeeze %dma_wait3A_146 : memref<1x40x128xf32, #tpu.memory_space<vmem>> -> memref<40x128xf32, #tpu.memory_space<vmem>>
      tpu.wait_dma2 semaphore(%run_scoped3A_119 : memref<!tpu.dma_semaphore, #tpu.memory_space<semaphore_mem>>) src(%dma_wait3A_147 : memref<40x128xf32, #tpu.memory_space<vmem>>) dst(%dma_wait3A_143 : memref<40x128xf32, #tpu.memory_space<hbm>>)
      tpu.yield
    }) : () -> ()
    %run_scoped3A_115 = arith.constant 2 : i32
    %run_scoped3A_116 = arith.constant 2 : i32
    "tpu.region"() ({
      %run_scoped3A_119 = tpu.sem_alloc : memref<!tpu.dma_semaphore, #tpu.memory_space<semaphore_mem>>
      %dma_start3A_120 = arith.constant 0 : i32
      %dma_start3A_121 = arith.constant 0 : i32
      %dma_start3A_122 = tpu.memref_slice %arg9[%run_scoped3A_115, %dma_start3A_120, %dma_start3A_121] : memref<4x40x128xf32, #tpu.memory_space<vmem>> -> memref<1x40x128xf32, #tpu.memory_space<vmem>>
      %dma_start3A_123 = tpu.memref_squeeze %dma_start3A_122 : memref<1x40x128xf32, #tpu.memory_space<vmem>> -> memref<40x128xf32, #tpu.memory_space<vmem>>
      %dma_start3A_124 = arith.constant 0 : i32
      %dma_start3A_125 = tpu.memref_slice %arg4[%run_scoped3A_116, %add3A_110, %dma_start3A_124] : memref<4x160000x128xf32, #tpu.memory_space<hbm>> -> memref<1x40x128xf32, #tpu.memory_space<hbm>>
      %dma_start3A_126 = tpu.memref_squeeze %dma_start3A_125 : memref<1x40x128xf32, #tpu.memory_space<hbm>> -> memref<40x128xf32, #tpu.memory_space<hbm>>
      %dma_start3A_127 = arith.constant 0 : i32
      %dma_start3A_128 = tpu.memref_slice %arg4[%run_scoped3A_116, %add3A_110, %dma_start3A_127] : memref<4x160000x128xf32, #tpu.memory_space<hbm>> -> memref<1x40x128xf32, #tpu.memory_space<hbm>>
      %dma_start3A_129 = tpu.memref_squeeze %dma_start3A_128 : memref<1x40x128xf32, #tpu.memory_space<hbm>> -> memref<40x128xf32, #tpu.memory_space<hbm>>
      %dma_start3A_130 = arith.constant 0 : i32
      %dma_start3A_131 = arith.constant 0 : i32
      %dma_start3A_132 = tpu.memref_slice %arg9[%run_scoped3A_115, %dma_start3A_130, %dma_start3A_131] : memref<4x40x128xf32, #tpu.memory_space<vmem>> -> memref<1x40x128xf32, #tpu.memory_space<vmem>>
      %dma_start3A_133 = tpu.memref_squeeze %dma_start3A_132 : memref<1x40x128xf32, #tpu.memory_space<vmem>> -> memref<40x128xf32, #tpu.memory_space<vmem>>
      tpu.enqueue_dma source(%dma_start3A_133 : memref<40x128xf32, #tpu.memory_space<vmem>>) target(%dma_start3A_129 : memref<40x128xf32, #tpu.memory_space<hbm>>) target_semaphore(%run_scoped3A_119 : memref<!tpu.dma_semaphore, #tpu.memory_space<semaphore_mem>>)
      %dma_wait3A_134 = arith.constant 0 : i32
      %dma_wait3A_135 = arith.constant 0 : i32
      %dma_wait3A_136 = tpu.memref_slice %arg9[%run_scoped3A_115, %dma_wait3A_134, %dma_wait3A_135] : memref<4x40x128xf32, #tpu.memory_space<vmem>> -> memref<1x40x128xf32, #tpu.memory_space<vmem>>
      %dma_wait3A_137 = tpu.memref_squeeze %dma_wait3A_136 : memref<1x40x128xf32, #tpu.memory_space<vmem>> -> memref<40x128xf32, #tpu.memory_space<vmem>>
      %dma_wait3A_138 = arith.constant 0 : i32
      %dma_wait3A_139 = tpu.memref_slice %arg4[%run_scoped3A_116, %add3A_110, %dma_wait3A_138] : memref<4x160000x128xf32, #tpu.memory_space<hbm>> -> memref<1x40x128xf32, #tpu.memory_space<hbm>>
      %dma_wait3A_140 = tpu.memref_squeeze %dma_wait3A_139 : memref<1x40x128xf32, #tpu.memory_space<hbm>> -> memref<40x128xf32, #tpu.memory_space<hbm>>
      %dma_wait3A_141 = arith.constant 0 : i32
      %dma_wait3A_142 = tpu.memref_slice %arg4[%run_scoped3A_116, %add3A_110, %dma_wait3A_141] : memref<4x160000x128xf32, #tpu.memory_space<hbm>> -> memref<1x40x128xf32, #tpu.memory_space<hbm>>
      %dma_wait3A_143 = tpu.memref_squeeze %dma_wait3A_142 : memref<1x40x128xf32, #tpu.memory_space<hbm>> -> memref<40x128xf32, #tpu.memory_space<hbm>>
      %dma_wait3A_144 = arith.constant 0 : i32
      %dma_wait3A_145 = arith.constant 0 : i32
      %dma_wait3A_146 = tpu.memref_slice %arg9[%run_scoped3A_115, %dma_wait3A_144, %dma_wait3A_145] : memref<4x40x128xf32, #tpu.memory_space<vmem>> -> memref<1x40x128xf32, #tpu.memory_space<vmem>>
      %dma_wait3A_147 = tpu.memref_squeeze %dma_wait3A_146 : memref<1x40x128xf32, #tpu.memory_space<vmem>> -> memref<40x128xf32, #tpu.memory_space<vmem>>
      tpu.wait_dma2 semaphore(%run_scoped3A_119 : memref<!tpu.dma_semaphore, #tpu.memory_space<semaphore_mem>>) src(%dma_wait3A_147 : memref<40x128xf32, #tpu.memory_space<vmem>>) dst(%dma_wait3A_143 : memref<40x128xf32, #tpu.memory_space<hbm>>)
      tpu.yield
    }) : () -> ()
    %run_scoped3A_117 = arith.constant 3 : i32
    %run_scoped3A_118 = arith.constant 3 : i32
    "tpu.region"() ({
      %run_scoped3A_119 = tpu.sem_alloc : memref<!tpu.dma_semaphore, #tpu.memory_space<semaphore_mem>>
      %dma_start3A_120 = arith.constant 0 : i32
      %dma_start3A_121 = arith.constant 0 : i32
      %dma_start3A_122 = tpu.memref_slice %arg9[%run_scoped3A_117, %dma_start3A_120, %dma_start3A_121] : memref<4x40x128xf32, #tpu.memory_space<vmem>> -> memref<1x40x128xf32, #tpu.memory_space<vmem>>
      %dma_start3A_123 = tpu.memref_squeeze %dma_start3A_122 : memref<1x40x128xf32, #tpu.memory_space<vmem>> -> memref<40x128xf32, #tpu.memory_space<vmem>>
      %dma_start3A_124 = arith.constant 0 : i32
      %dma_start3A_125 = tpu.memref_slice %arg4[%run_scoped3A_118, %add3A_110, %dma_start3A_124] : memref<4x160000x128xf32, #tpu.memory_space<hbm>> -> memref<1x40x128xf32, #tpu.memory_space<hbm>>
      %dma_start3A_126 = tpu.memref_squeeze %dma_start3A_125 : memref<1x40x128xf32, #tpu.memory_space<hbm>> -> memref<40x128xf32, #tpu.memory_space<hbm>>
      %dma_start3A_127 = arith.constant 0 : i32
      %dma_start3A_128 = tpu.memref_slice %arg4[%run_scoped3A_118, %add3A_110, %dma_start3A_127] : memref<4x160000x128xf32, #tpu.memory_space<hbm>> -> memref<1x40x128xf32, #tpu.memory_space<hbm>>
      %dma_start3A_129 = tpu.memref_squeeze %dma_start3A_128 : memref<1x40x128xf32, #tpu.memory_space<hbm>> -> memref<40x128xf32, #tpu.memory_space<hbm>>
      %dma_start3A_130 = arith.constant 0 : i32
      %dma_start3A_131 = arith.constant 0 : i32
      %dma_start3A_132 = tpu.memref_slice %arg9[%run_scoped3A_117, %dma_start3A_130, %dma_start3A_131] : memref<4x40x128xf32, #tpu.memory_space<vmem>> -> memref<1x40x128xf32, #tpu.memory_space<vmem>>
      %dma_start3A_133 = tpu.memref_squeeze %dma_start3A_132 : memref<1x40x128xf32, #tpu.memory_space<vmem>> -> memref<40x128xf32, #tpu.memory_space<vmem>>
      tpu.enqueue_dma source(%dma_start3A_133 : memref<40x128xf32, #tpu.memory_space<vmem>>) target(%dma_start3A_129 : memref<40x128xf32, #tpu.memory_space<hbm>>) target_semaphore(%run_scoped3A_119 : memref<!tpu.dma_semaphore, #tpu.memory_space<semaphore_mem>>)
      %dma_wait3A_134 = arith.constant 0 : i32
      %dma_wait3A_135 = arith.constant 0 : i32
      %dma_wait3A_136 = tpu.memref_slice %arg9[%run_scoped3A_117, %dma_wait3A_134, %dma_wait3A_135] : memref<4x40x128xf32, #tpu.memory_space<vmem>> -> memref<1x40x128xf32, #tpu.memory_space<vmem>>
      %dma_wait3A_137 = tpu.memref_squeeze %dma_wait3A_136 : memref<1x40x128xf32, #tpu.memory_space<vmem>> -> memref<40x128xf32, #tpu.memory_space<vmem>>
      %dma_wait3A_138 = arith.constant 0 : i32
      %dma_wait3A_139 = tpu.memref_slice %arg4[%run_scoped3A_118, %add3A_110, %dma_wait3A_138] : memref<4x160000x128xf32, #tpu.memory_space<hbm>> -> memref<1x40x128xf32, #tpu.memory_space<hbm>>
      %dma_wait3A_140 = tpu.memref_squeeze %dma_wait3A_139 : memref<1x40x128xf32, #tpu.memory_space<hbm>> -> memref<40x128xf32, #tpu.memory_space<hbm>>
      %dma_wait3A_141 = arith.constant 0 : i32
      %dma_wait3A_142 = tpu.memref_slice %arg4[%run_scoped3A_118, %add3A_110, %dma_wait3A_141] : memref<4x160000x128xf32, #tpu.memory_space<hbm>> -> memref<1x40x128xf32, #tpu.memory_space<hbm>>
      %dma_wait3A_143 = tpu.memref_squeeze %dma_wait3A_142 : memref<1x40x128xf32, #tpu.memory_space<hbm>> -> memref<40x128xf32, #tpu.memory_space<hbm>>
      %dma_wait3A_144 = arith.constant 0 : i32
      %dma_wait3A_145 = arith.constant 0 : i32
      %dma_wait3A_146 = tpu.memref_slice %arg9[%run_scoped3A_117, %dma_wait3A_144, %dma_wait3A_145] : memref<4x40x128xf32, #tpu.memory_space<vmem>> -> memref<1x40x128xf32, #tpu.memory_space<vmem>>
      %dma_wait3A_147 = tpu.memref_squeeze %dma_wait3A_146 : memref<1x40x128xf32, #tpu.memory_space<vmem>> -> memref<40x128xf32, #tpu.memory_space<vmem>>
      tpu.wait_dma2 semaphore(%run_scoped3A_119 : memref<!tpu.dma_semaphore, #tpu.memory_space<semaphore_mem>>) src(%dma_wait3A_147 : memref<40x128xf32, #tpu.memory_space<vmem>>) dst(%dma_wait3A_143 : memref<40x128xf32, #tpu.memory_space<hbm>>)
      tpu.yield
    }) : () -> ()
    return
  }
}

module attributes {stable_mosaic.version = 14 : i64} {
  func.func @body(%arg0: i32, %arg1: memref<1x128x1280xf32, #tpu.memory_space<vmem>>, %arg2: memref<4x1280x128xf32, #tpu.memory_space<vmem>>, %arg3: memref<5x64x128xf32, #tpu.memory_space<vmem>>, %arg4: memref<64x1xf32, #tpu.memory_space<vmem>>, %arg5: memref<64x1280xf32, #tpu.memory_space<vmem>>, %arg6: memref<64x2xf32, #tpu.memory_space<vmem>>, %arg7: memref<64x1xf32, #tpu.memory_space<vmem>>, %arg8: memref<64x1xf32, #tpu.memory_space<vmem>>) attributes {dimension_semantics = [#tpu.dimension_semantics<arbitrary>], iteration_bounds = array<i64: 125>, scalar_prefetch = 0 : i64, scratch_operands = 2 : i64, tpu.core_type = #tpu.core_type<tc>, window_params = [{transform_indices = @transform_0, window_bounds = array<i64: 1, 128, 1280>}, {transform_indices = @transform_1, window_bounds = array<i64: 4, 1280, 128>}, {pipeline_mode = #tpu.pipeline_mode<synchronous>, transform_indices = @transform_2, window_bounds = array<i64: 5, 64, 128>}, {pipeline_mode = #tpu.pipeline_mode<synchronous>, transform_indices = @transform_3, window_bounds = array<i64: 64, 1>}, {transform_indices = @transform_4, window_bounds = array<i64: 64, 1280>}, {pipeline_mode = #tpu.pipeline_mode<synchronous>, transform_indices = @transform_5, window_bounds = array<i64: 64, 2>}]} {
    %eq3A = arith.constant 0 : i32
    %eq3A_0 = arith.cmpi eq, %arg0, %eq3A : i32
    %convert_element_type3A = arith.extui %eq3A_0 : i1 to i32
    %cond3A = arith.constant 0 : i32
    %cond3A_1 = arith.cmpi ne, %convert_element_type3A, %cond3A : i32
    scf.if %cond3A_1 {
      %broadcast_in_dim3A_86 = arith.constant 0.000000e+00 : f32
      %broadcast_in_dim3A_87 = vector.broadcast %broadcast_in_dim3A_86 : f32 to vector<64x1xf32>
      %swap3A_88 = arith.constant 0 : index
      %swap3A_89 = arith.constant 0 : index
      %swap3A_90 = vector.load %arg7[%swap3A_88, %swap3A_89] : memref<64x1xf32, #tpu.memory_space<vmem>>, vector<64x1xf32>
      tpu.vector_store %arg7[%swap3A_88, %swap3A_89], %broadcast_in_dim3A_87 {strides = array<i32>} : memref<64x1xf32, #tpu.memory_space<vmem>>, vector<64x1xf32>,
      %broadcast_in_dim3A_91 = arith.constant 0.000000e+00 : f32
      %broadcast_in_dim3A_92 = vector.broadcast %broadcast_in_dim3A_91 : f32 to vector<64x1xf32>
      %swap3A_93 = arith.constant 0 : index
      %swap3A_94 = arith.constant 0 : index
      %swap3A_95 = vector.load %arg8[%swap3A_93, %swap3A_94] : memref<64x1xf32, #tpu.memory_space<vmem>>, vector<64x1xf32>
      tpu.vector_store %arg8[%swap3A_93, %swap3A_94], %broadcast_in_dim3A_92 {strides = array<i32>} : memref<64x1xf32, #tpu.memory_space<vmem>>, vector<64x1xf32>,
    } else {
    }
    %get3A = arith.constant 0 : index
    %get3A_2 = arith.constant 0 : index
    %get3A_3 = arith.constant 0 : index
    %get3A_4 = vector.load %arg1[%get3A, %get3A_2, %get3A_3] : memref<1x128x1280xf32, #tpu.memory_space<vmem>>, vector<1x128x1280xf32>
    %get3A_5 = vector.shape_cast %get3A_4 : vector<1x128x1280xf32> to vector<128x1280xf32>
    %get3A_6 = arith.constant 0 : index
    %get3A_7 = arith.constant 0 : index
    %get3A_8 = arith.constant 0 : index
    %get3A_9 = vector.load %arg3[%get3A_6, %get3A_7, %get3A_8] : memref<5x64x128xf32, #tpu.memory_space<vmem>>, vector<5x64x128xf32>
    %get3A_10 = arith.constant 0 : index
    %get3A_11 = arith.constant 0 : index
    %get3A_12 = arith.constant 0 : index
    %get3A_13 = vector.load %arg2[%get3A_10, %get3A_11, %get3A_12] : memref<4x1280x128xf32, #tpu.memory_space<vmem>>, vector<4x1280x128xf32>
    %slice3A = vector.extract_strided_slice %get3A_13 {offsets = [0, 0, 0], sizes = [1, 1280, 128], strides = [1, 1, 1]} : vector<4x1280x128xf32> to vector<1x1280x128xf32>
    %squeeze3A = vector.shape_cast %slice3A : vector<1x1280x128xf32> to vector<1280x128xf32>
    %slice3A_14 = vector.extract_strided_slice %get3A_13 {offsets = [2, 0, 0], sizes = [1, 1280, 128], strides = [1, 1, 1]} : vector<4x1280x128xf32> to vector<1x1280x128xf32>
    %squeeze3A_15 = vector.shape_cast %slice3A_14 : vector<1x1280x128xf32> to vector<1280x128xf32>
    %add3A = arith.addf %squeeze3A, %squeeze3A_15 : vector<1280x128xf32>
    %slice3A_16 = vector.extract_strided_slice %get3A_13 {offsets = [1, 0, 0], sizes = [1, 1280, 128], strides = [1, 1, 1]} : vector<4x1280x128xf32> to vector<1x1280x128xf32>
    %squeeze3A_17 = vector.shape_cast %slice3A_16 : vector<1x1280x128xf32> to vector<1280x128xf32>
    %slice3A_18 = vector.extract_strided_slice %get3A_13 {offsets = [3, 0, 0], sizes = [1, 1280, 128], strides = [1, 1, 1]} : vector<4x1280x128xf32> to vector<1x1280x128xf32>
    %squeeze3A_19 = vector.shape_cast %slice3A_18 : vector<1x1280x128xf32> to vector<1280x128xf32>
    %add3A_20 = arith.addf %squeeze3A_17, %squeeze3A_19 : vector<1280x128xf32>
    %slice3A_21 = vector.extract_strided_slice %get3A_13 {offsets = [0, 0, 0], sizes = [1, 1280, 128], strides = [1, 1, 1]} : vector<4x1280x128xf32> to vector<1x1280x128xf32>
    %squeeze3A_22 = vector.shape_cast %slice3A_21 : vector<1x1280x128xf32> to vector<1280x128xf32>
    %slice3A_23 = vector.extract_strided_slice %get3A_13 {offsets = [2, 0, 0], sizes = [1, 1280, 128], strides = [1, 1, 1]} : vector<4x1280x128xf32> to vector<1x1280x128xf32>
    %squeeze3A_24 = vector.shape_cast %slice3A_23 : vector<1x1280x128xf32> to vector<1280x128xf32>
    %sub3A = arith.subf %squeeze3A_22, %squeeze3A_24 : vector<1280x128xf32>
    %abs3A = math.absf %sub3A : vector<1280x128xf32>
    %slice3A_25 = vector.extract_strided_slice %get3A_13 {offsets = [1, 0, 0], sizes = [1, 1280, 128], strides = [1, 1, 1]} : vector<4x1280x128xf32> to vector<1x1280x128xf32>
    %squeeze3A_26 = vector.shape_cast %slice3A_25 : vector<1x1280x128xf32> to vector<1280x128xf32>
    %slice3A_27 = vector.extract_strided_slice %get3A_13 {offsets = [3, 0, 0], sizes = [1, 1280, 128], strides = [1, 1, 1]} : vector<4x1280x128xf32> to vector<1x1280x128xf32>
    %squeeze3A_28 = vector.shape_cast %slice3A_27 : vector<1x1280x128xf32> to vector<1280x128xf32>
    %sub3A_29 = arith.subf %squeeze3A_26, %squeeze3A_28 : vector<1280x128xf32>
    %abs3A_30 = math.absf %sub3A_29 : vector<1280x128xf32>
    %slice3A_31 = vector.extract_strided_slice %get3A_9 {offsets = [0, 0, 0], sizes = [1, 64, 128], strides = [1, 1, 1]} : vector<5x64x128xf32> to vector<1x64x128xf32>
    %squeeze3A_32 = vector.shape_cast %slice3A_31 : vector<1x64x128xf32> to vector<64x128xf32>
    %dot_general3A = arith.constant dense<0.000000e+00> : vector<64x1280xf32>
    %dot_general3A_33 = tpu.matmul %squeeze3A_32, %get3A_5, %dot_general3A {dimension_numbers = #tpu.dot_dimension_numbers<[1], [0], [0], [1], [0, 0, 1, 1], [], []>, transpose_lhs_hint = false} : vector<64x128xf32>, vector<128x1280xf32>, vector<64x1280xf32> -> vector<64x1280xf32>
    %slice3A_34 = vector.extract_strided_slice %get3A_9 {offsets = [1, 0, 0], sizes = [1, 64, 128], strides = [1, 1, 1]} : vector<5x64x128xf32> to vector<1x64x128xf32>
    %squeeze3A_35 = vector.shape_cast %slice3A_34 : vector<1x64x128xf32> to vector<64x128xf32>
    %dot_general3A_36 = arith.constant dense<0.000000e+00> : vector<64x1280xf32>
    %dot_general3A_37 = tpu.matmul %squeeze3A_35, %add3A, %dot_general3A_36 {dimension_numbers = #tpu.dot_dimension_numbers<[1], [1], [0], [0], [0, 0, 1, 0], [], []>, transpose_lhs_hint = false} : vector<64x128xf32>, vector<1280x128xf32>, vector<64x1280xf32> -> vector<64x1280xf32>
    %add3A_38 = arith.addf %dot_general3A_33, %dot_general3A_37 : vector<64x1280xf32>
    %slice3A_39 = vector.extract_strided_slice %get3A_9 {offsets = [2, 0, 0], sizes = [1, 64, 128], strides = [1, 1, 1]} : vector<5x64x128xf32> to vector<1x64x128xf32>
    %squeeze3A_40 = vector.shape_cast %slice3A_39 : vector<1x64x128xf32> to vector<64x128xf32>
    %dot_general3A_41 = arith.constant dense<0.000000e+00> : vector<64x1280xf32>
    %dot_general3A_42 = tpu.matmul %squeeze3A_40, %add3A_20, %dot_general3A_41 {dimension_numbers = #tpu.dot_dimension_numbers<[1], [1], [0], [0], [0, 0, 1, 0], [], []>, transpose_lhs_hint = false} : vector<64x128xf32>, vector<1280x128xf32>, vector<64x1280xf32> -> vector<64x1280xf32>
    %add3A_43 = arith.addf %add3A_38, %dot_general3A_42 : vector<64x1280xf32>
    %slice3A_44 = vector.extract_strided_slice %get3A_9 {offsets = [3, 0, 0], sizes = [1, 64, 128], strides = [1, 1, 1]} : vector<5x64x128xf32> to vector<1x64x128xf32>
    %squeeze3A_45 = vector.shape_cast %slice3A_44 : vector<1x64x128xf32> to vector<64x128xf32>
    %dot_general3A_46 = arith.constant dense<0.000000e+00> : vector<64x1280xf32>
    %dot_general3A_47 = tpu.matmul %squeeze3A_45, %abs3A, %dot_general3A_46 {dimension_numbers = #tpu.dot_dimension_numbers<[1], [1], [0], [0], [0, 0, 1, 0], [], []>, transpose_lhs_hint = false} : vector<64x128xf32>, vector<1280x128xf32>, vector<64x1280xf32> -> vector<64x1280xf32>
    %add3A_48 = arith.addf %add3A_43, %dot_general3A_47 : vector<64x1280xf32>
    %slice3A_49 = vector.extract_strided_slice %get3A_9 {offsets = [4, 0, 0], sizes = [1, 64, 128], strides = [1, 1, 1]} : vector<5x64x128xf32> to vector<1x64x128xf32>
    %squeeze3A_50 = vector.shape_cast %slice3A_49 : vector<1x64x128xf32> to vector<64x128xf32>
    %dot_general3A_51 = arith.constant dense<0.000000e+00> : vector<64x1280xf32>
    %dot_general3A_52 = tpu.matmul %squeeze3A_50, %abs3A_30, %dot_general3A_51 {dimension_numbers = #tpu.dot_dimension_numbers<[1], [1], [0], [0], [0, 0, 1, 0], [], []>, transpose_lhs_hint = false} : vector<64x128xf32>, vector<1280x128xf32>, vector<64x1280xf32> -> vector<64x1280xf32>
    %add3A_53 = arith.addf %add3A_48, %dot_general3A_52 : vector<64x1280xf32>
    %get3A_54 = arith.constant 0 : index
    %get3A_55 = arith.constant 0 : index
    %get3A_56 = vector.load %arg4[%get3A_54, %get3A_55] : memref<64x1xf32, #tpu.memory_space<vmem>>, vector<64x1xf32>
    %add3A_57 = vector.broadcast %get3A_56 : vector<64x1xf32> to vector<64x1280xf32>
    %add3A_58 = arith.addf %add3A_53, %add3A_57 : vector<64x1280xf32>
    %max3A = arith.constant 0.000000e+00 : f32
    %max3A_59 = vector.broadcast %max3A : f32 to vector<64x1280xf32>
    %max3A_60 = arith.maximumf %add3A_58, %max3A_59 : vector<64x1280xf32>
    %swap3A = arith.constant 0 : index
    %swap3A_61 = arith.constant 0 : index
    %swap3A_62 = vector.load %arg5[%swap3A, %swap3A_61] : memref<64x1280xf32, #tpu.memory_space<vmem>>, vector<64x1280xf32>
    tpu.vector_store %arg5[%swap3A, %swap3A_61], %max3A_60 {strides = array<i32>} : memref<64x1280xf32, #tpu.memory_space<vmem>>, vector<64x1280xf32>,
    %get3A_63 = arith.constant 0 : index
    %get3A_64 = arith.constant 0 : index
    %get3A_65 = vector.load %arg7[%get3A_63, %get3A_64] : memref<64x1xf32, #tpu.memory_space<vmem>>, vector<64x1xf32>
    %reduce_sum3A = arith.constant dense<0.000000e+00> : vector<64xf32>
    %reduce_sum3A_66 = vector.multi_reduction <add>, %max3A_60, %reduce_sum3A [1] : vector<64x1280xf32> to vector<64xf32>
    %broadcast_in_dim3A = vector.shape_cast %reduce_sum3A_66 : vector<64xf32> to vector<64x1xf32>
    %add3A_67 = arith.addf %get3A_65, %broadcast_in_dim3A : vector<64x1xf32>
    %swap3A_68 = arith.constant 0 : index
    %swap3A_69 = arith.constant 0 : index
    %swap3A_70 = vector.load %arg7[%swap3A_68, %swap3A_69] : memref<64x1xf32, #tpu.memory_space<vmem>>, vector<64x1xf32>
    tpu.vector_store %arg7[%swap3A_68, %swap3A_69], %add3A_67 {strides = array<i32>} : memref<64x1xf32, #tpu.memory_space<vmem>>, vector<64x1xf32>,
    %get3A_71 = arith.constant 0 : index
    %get3A_72 = arith.constant 0 : index
    %get3A_73 = vector.load %arg8[%get3A_71, %get3A_72] : memref<64x1xf32, #tpu.memory_space<vmem>>, vector<64x1xf32>
    %mul3A = arith.mulf %max3A_60, %max3A_60 : vector<64x1280xf32>
    %reduce_sum3A_74 = arith.constant dense<0.000000e+00> : vector<64xf32>
    %reduce_sum3A_75 = vector.multi_reduction <add>, %mul3A, %reduce_sum3A_74 [1] : vector<64x1280xf32> to vector<64xf32>
    %broadcast_in_dim3A_76 = vector.shape_cast %reduce_sum3A_75 : vector<64xf32> to vector<64x1xf32>
    %add3A_77 = arith.addf %get3A_73, %broadcast_in_dim3A_76 : vector<64x1xf32>
    %swap3A_78 = arith.constant 0 : index
    %swap3A_79 = arith.constant 0 : index
    %swap3A_80 = vector.load %arg8[%swap3A_78, %swap3A_79] : memref<64x1xf32, #tpu.memory_space<vmem>>, vector<64x1xf32>
    tpu.vector_store %arg8[%swap3A_78, %swap3A_79], %add3A_77 {strides = array<i32>} : memref<64x1xf32, #tpu.memory_space<vmem>>, vector<64x1xf32>,
    %eq3A_81 = arith.constant 124 : i32
    %eq3A_82 = arith.cmpi eq, %arg0, %eq3A_81 : i32
    %convert_element_type3A_83 = arith.extui %eq3A_82 : i1 to i32
    %cond3A_84 = arith.constant 0 : i32
    %cond3A_85 = arith.cmpi ne, %convert_element_type3A_83, %cond3A_84 : i32
    scf.if %cond3A_85 {
      %get3A_86 = arith.constant 0 : index
      %get3A_87 = arith.constant 0 : index
      %get3A_88 = vector.load %arg7[%get3A_86, %get3A_87] : memref<64x1xf32, #tpu.memory_space<vmem>>, vector<64x1xf32>
      %get3A_89 = arith.constant 0 : index
      %get3A_90 = arith.constant 0 : index
      %get3A_91 = vector.load %arg8[%get3A_89, %get3A_90] : memref<64x1xf32, #tpu.memory_space<vmem>>, vector<64x1xf32>
      %concatenate3A = tpu.concatenate %get3A_88, %get3A_91 in 1 : vector<64x1xf32>, vector<64x1xf32> -> vector<64x2xf32>
      %swap3A_92 = arith.constant 0 : index
      %swap3A_93 = arith.constant 0 : index
      %swap3A_94 = vector.load %arg6[%swap3A_92, %swap3A_93] : memref<64x2xf32, #tpu.memory_space<vmem>>, vector<64x2xf32>
      tpu.vector_store %arg6[%swap3A_92, %swap3A_93], %concatenate3A {strides = array<i32>} : memref<64x2xf32, #tpu.memory_space<vmem>>, vector<64x2xf32>,
    } else {
    }
    return
  }
  func.func @transform_0(%arg0: i32) -> (i32, i32, i32) {
    %add3A = arith.constant 0 : i32
    %add3A_0 = arith.addi %arg0, %add3A : i32
    %c0_i32 = arith.constant 0 : i32
    %c0_i32_1 = arith.constant 0 : i32
    %c0_i32_2 = arith.constant 0 : i32
    return %c0_i32, %c0_i32_1, %add3A_0 : i32, i32, i32
  }
  func.func @transform_1(%arg0: i32) -> (i32, i32, i32) {
    %c0_i32 = arith.constant 0 : i32
    %c0_i32_0 = arith.constant 0 : i32
    %c0_i32_1 = arith.constant 0 : i32
    return %c0_i32, %arg0, %c0_i32_0 : i32, i32, i32
  }
  func.func @transform_2(%arg0: i32) -> (i32, i32, i32) {
    %c0_i32 = arith.constant 0 : i32
    %c0_i32_0 = arith.constant 0 : i32
    %c0_i32_1 = arith.constant 0 : i32
    %c0_i32_2 = arith.constant 0 : i32
    return %c0_i32, %c0_i32_0, %c0_i32_1 : i32, i32, i32
  }
  func.func @transform_3(%arg0: i32) -> (i32, i32) {
    %c0_i32 = arith.constant 0 : i32
    %c0_i32_0 = arith.constant 0 : i32
    %c0_i32_1 = arith.constant 0 : i32
    return %c0_i32, %c0_i32_0 : i32, i32
  }
  func.func @transform_4(%arg0: i32) -> (i32, i32) {
    %c0_i32 = arith.constant 0 : i32
    %c0_i32_0 = arith.constant 0 : i32
    return %c0_i32, %arg0 : i32, i32
  }
  func.func @transform_5(%arg0: i32) -> (i32, i32) {
    %c0_i32 = arith.constant 0 : i32
    %c0_i32_0 = arith.constant 0 : i32
    %c0_i32_1 = arith.constant 0 : i32
    return %c0_i32, %c0_i32_0 : i32, i32
  }
}

module attributes {stable_mosaic.version = 14 : i64} {
  func.func @body(%arg0: i32, %arg1: memref<64x1280xf32, #tpu.memory_space<vmem>>, %arg2: memref<1x64x2xf32, #tpu.memory_space<vmem>>, %arg3: memref<1x64x1280xf32, #tpu.memory_space<vmem>>) attributes {dimension_semantics = [#tpu.dimension_semantics<arbitrary>], iteration_bounds = array<i64: 125>, scalar_prefetch = 0 : i64, scratch_operands = 0 : i64, tpu.core_type = #tpu.core_type<tc>, window_params = [{transform_indices = @transform_0, window_bounds = array<i64: 64, 1280>}, {pipeline_mode = #tpu.pipeline_mode<synchronous>, transform_indices = @transform_1, window_bounds = array<i64: 1, 64, 2>}, {transform_indices = @transform_2, window_bounds = array<i64: 1, 64, 1280>}]} {
    %get3A = arith.constant 0 : index
    %get3A_0 = arith.constant 0 : index
    %get3A_1 = arith.constant 0 : index
    %get3A_2 = vector.load %arg2[%get3A, %get3A_0, %get3A_1] : memref<1x64x2xf32, #tpu.memory_space<vmem>>, vector<1x64x2xf32>
    %reduce_sum3A = arith.constant dense<0.000000e+00> : vector<64x2xf32>
    %reduce_sum3A_3 = vector.multi_reduction <add>, %get3A_2, %reduce_sum3A [0] : vector<1x64x2xf32> to vector<64x2xf32>
    %slice3A = vector.extract_strided_slice %reduce_sum3A_3 {offsets = [0, 0], sizes = [64, 1], strides = [1, 1]} : vector<64x2xf32> to vector<64x1xf32>
    %mul3A = arith.constant 6.250000e-06 : f32
    %mul3A_4 = vector.broadcast %mul3A : f32 to vector<64x1xf32>
    %mul3A_5 = arith.mulf %slice3A, %mul3A_4 : vector<64x1xf32>
    %slice3A_6 = vector.extract_strided_slice %reduce_sum3A_3 {offsets = [0, 1], sizes = [64, 1], strides = [1, 1]} : vector<64x2xf32> to vector<64x1xf32>
    %mul3A_7 = arith.constant 6.250000e-06 : f32
    %mul3A_8 = vector.broadcast %mul3A_7 : f32 to vector<64x1xf32>
    %mul3A_9 = arith.mulf %slice3A_6, %mul3A_8 : vector<64x1xf32>
    %mul3A_10 = arith.mulf %mul3A_5, %mul3A_5 : vector<64x1xf32>
    %sub3A = arith.subf %mul3A_9, %mul3A_10 : vector<64x1xf32>
    %add3A = arith.constant 9.99999974E-6 : f32
    %add3A_11 = vector.broadcast %add3A : f32 to vector<64x1xf32>
    %add3A_12 = arith.addf %sub3A, %add3A_11 : vector<64x1xf32>
    %rsqrt3A = math.rsqrt %add3A_12 : vector<64x1xf32>
    %get3A_13 = arith.constant 0 : index
    %get3A_14 = arith.constant 0 : index
    %get3A_15 = vector.load %arg1[%get3A_13, %get3A_14] : memref<64x1280xf32, #tpu.memory_space<vmem>>, vector<64x1280xf32>
    %sub3A_16 = vector.broadcast %mul3A_5 : vector<64x1xf32> to vector<64x1280xf32>
    %sub3A_17 = arith.subf %get3A_15, %sub3A_16 : vector<64x1280xf32>
    %mul3A_18 = vector.broadcast %rsqrt3A : vector<64x1xf32> to vector<64x1280xf32>
    %mul3A_19 = arith.mulf %sub3A_17, %mul3A_18 : vector<64x1280xf32>
    %broadcast_in_dim3A = vector.shape_cast %mul3A_19 : vector<64x1280xf32> to vector<1x64x1280xf32>
    %swap3A = arith.constant 0 : index
    %swap3A_20 = arith.constant 0 : index
    %swap3A_21 = arith.constant 0 : index
    %swap3A_22 = vector.load %arg3[%swap3A, %swap3A_20, %swap3A_21] : memref<1x64x1280xf32, #tpu.memory_space<vmem>>, vector<1x64x1280xf32>
    tpu.vector_store %arg3[%swap3A, %swap3A_20, %swap3A_21], %broadcast_in_dim3A {strides = array<i32>} : memref<1x64x1280xf32, #tpu.memory_space<vmem>>, vector<1x64x1280xf32>,
    return
  }
  func.func @transform_0(%arg0: i32) -> (i32, i32) {
    %c0_i32 = arith.constant 0 : i32
    %c0_i32_0 = arith.constant 0 : i32
    return %c0_i32, %arg0 : i32, i32
  }
  func.func @transform_1(%arg0: i32) -> (i32, i32, i32) {
    %c0_i32 = arith.constant 0 : i32
    %c0_i32_0 = arith.constant 0 : i32
    %c0_i32_1 = arith.constant 0 : i32
    %c0_i32_2 = arith.constant 0 : i32
    return %c0_i32, %c0_i32_0, %c0_i32_1 : i32, i32, i32
  }
  func.func @transform_2(%arg0: i32) -> (i32, i32, i32) {
    %c0_i32 = arith.constant 0 : i32
    %c0_i32_0 = arith.constant 0 : i32
    %c0_i32_1 = arith.constant 0 : i32
    return %c0_i32, %c0_i32_0, %arg0 : i32, i32, i32
  }
}

</mosaic_0001>

<sc_bundles>
// kernel: kernel.5.cloned.1.call-start
scs
__scs_entry_jumppad:
0x0: {  	(pc) =	sbr.rel $0x88, $3  }
0x1: {  	(tag) =	ssettag $0x0;
	lr =	simm.s32 $0x1  }
0x2: {  	[smem:$0x3F9D] =	sst lr;
	_ =	strace $0xD0000000  }
0x3: {  	_ = 	snop  }
0x4: {  	_ = 	snop  }
0x5: {  	_ = 	snop  }
0x6: {  	_ = 	snop  }
0x7: {  	_ = 	snop  }
__scs_overlays_trampoline_lowered:
0x8: {  	[smem:$0x3FAC] =	sst s0  }
0x9: {  	[smem:$0x3FAD] =	sst s1  }
0xa: {  	[smem:$0x3FAE] =	sst s2  }
0xb: {  	[smem:$0x3FAF] =	sst s3  }
0xc: {  	[smem:$0x3FB0] =	sst s4  }
0xd: {  	[smem:$0x3FB1] =	sst s5  }
0xe: {  	[smem:$0x3FB2] =	sst s6  }
0xf: {  	[smem:$0x3FB3] =	sst s7  }
0x10: {  	[smem:$0x3FB4] =	sst s8  }
0x11: {  	[smem:$0x3FB5] =	sst s9;
	s0 =	simm.s32 @!p0 $0x0  }
0x12: {  	s1 =	sld [smem:$0x3F9B];
	s0 =	simm.s32 @p0 $0x1  }
0x13: {  	[smem:$0x3FB6] =	sst s0;
	s0 =	simm.s32 @!p1 $0x0  }
0x14: {  	s2 =	sld [smem:$0x3F9A];
	s0 =	simm.s32 @p1 $0x1  }
0x15: {  	[smem:$0x3FB7] =	sst s0;
	s0 =	simm.s32 @!p2 $0x0  }
0x16: {  	s3 =	sld [smem:$0x3FDB];
	s0 =	simm.s32 @p2 $0x1  }
0x17: {  	s4 =	simm.s32 $0x1BF5;
	[smem:$0x3FB9] =	sst s0  }
0x18: {  	s0 =	sld [smem:$0x3F9C];
	_ =	swait.ge [sflag:s4], $0x0  }
0x19: {  	s7 =	sld [smem:$0x3F9D]  }
0x1a: {  	s8 =	sadd.s32 $0xFFFFE003, lr  }
0x1b: {  	s9 =	sadd.s32 $0xFFFFFEF7, lr;
	s5 =	simm.s32 $0xFFFFFFFF;
	p2 =	slt.u32 s8, $0xFFFFF086  }
0x1c: {  	p1 =	slt.u32 s9, $0xF7A;
	s5 =	simm.s32 @!p2 $0x0  }
0x1d: {  	s5 =	simm.s32 @p1 $0x1;
	p0 =	seq.s32 s7, s2  }
0x1e: {  	s7 =	smul.u32 @!p0 $0xF7A, s2;
	p2 =	seq.s32 @!p0 s5, $0x0  }
0x1f: {  	s9 =	smul.u32 $0xF7A, s1;
	s8 =	simm.s32 @!p0 $0x1BF5;
	p2 =	por !p2, p0  }
0x20: {  	[sflag:s8] =	ssyncset.s32 @!p0 $0xFFFFF086;
	s6 =	sadd.s32 @!p0 s3, s7;
	s7 =	simm.s32 @!p0 $0x108  }
0x21: {  	s3 =	sadd.s32 s3, s9;
	s6 =	sadd.s32 @!p0 $0x88, s6;
	s7 =	simm.s32 @p2 $0x1082  }
0x22: {  	[simem:s7], [sflag:s8] =	dma.local @!p0 [hbm:s6], $0xF7A  }
0x23: {  	s9 =	sor.u32 $0xD0000000, s2;
	s6 =	simm.s32 $0x108;
	_ =	swait.ge @!p0 [sflag:s8], $0x0  }
0x24: {  	s3 =	sadd.s32 $0x88, s3;
	s6 =	simm.s32 @!p1 $0x1082;
	[sflag:s4] =	ssyncset.s32 $0xFFFFF086  }
0x25: {  	[simem:s6], [sflag:s4] =	dma.local [hbm:s3], $0xF7A  }
0x26: {  	[smem:$0x3F9D] =	sst s1;
	(tag) =	ssettag s2;
	_ =	strace s9  }
0x27: {  	s1 =	sld [smem:$0x3FAD]  }
0x28: {  	s2 =	sld [smem:$0x3FAE]  }
0x29: {  	s4 =	sld [smem:$0x3FB0]  }
0x2a: {  	p0 =	seq.s32 s5, $0x0;
	s5 =	sld [smem:$0x3FB1]  }
0x2b: {  	s6 =	sld [smem:$0x3FB2]  }
0x2c: {  	s7 =	sld [smem:$0x3FB3]  }
0x2d: {  	s3 =	simm.s32 $0x108;
	s8 =	sld [smem:$0x3FB4]  }
0x2e: {  	s3 =	simm.s32 @!p0 $0x1082;
	s9 =	sld [smem:$0x3FB5]  }
0x2f: {  	lr =	sadd.s32 s0, s3;
	s0 =	sld [smem:$0x3FAC]  }
0x30: {  	s3 =	sld [smem:$0x3FAF]  }
0x31: {  	[smem:$0x3FB8] =	sst s10  }
0x32: {  	s10 =	sld [smem:$0x3FB6];
	_ =	sdelay $0x3  }
0x33: {  	p0 =	seq.s32 s10, $0x1;
	s10 =	sld [smem:$0x3FB8];
	_ =	sdelay $0x3  }
0x34: {  	[smem:$0x3FB8] =	sst s10  }
0x35: {  	s10 =	sld [smem:$0x3FB7];
	_ =	sdelay $0x3  }
0x36: {  	p1 =	seq.s32 s10, $0x1;
	s10 =	sld [smem:$0x3FB8];
	_ =	sdelay $0x3  }
0x37: {  	[smem:$0x3FB8] =	sst s10  }
0x38: {  	s10 =	sld [smem:$0x3FB9]  }
0x39: {  	_ = 	snop;
	(pc) =	sbr.ind lr, $3  }
0x3a: {  	_ = 	snop  }
0x3b: {  	_ = 	snop  }
0x3c: {  	p2 =	seq.s32 s10, $0x1;
	s10 =	sld [smem:$0x3FB8]  }
0x3d: {  	_ =	shalt  }
0x3e: {  	_ =	shalt  }
0x3f: {  	_ =	shalt  }
0x40: {  	_ =	shalt  }
0x41: {  	_ =	shalt  }
0x42: {  	_ =	shalt  }
0x43: {  	_ =	shalt  }
0x44: {  	_ =	shalt  }
0x45: {  	_ =	shalt  }
0x46: {  	_ =	shalt  }
0x47: {  	_ =	shalt  }
0x48: {  	_ =	shalt  }
0x49: {  	_ =	shalt  }
0x4a: {  	_ =	shalt  }
0x4b: {  	_ =	shalt  }
0x4c: {  	_ =	shalt  }
0x4d: {  	_ =	shalt  }
0x4e: {  	_ =	shalt  }
0x4f: {  	_ =	shalt  }
0x50: {  	_ =	shalt  }
0x51: {  	_ =	shalt  }
0x52: {  	_ =	shalt  }
0x53: {  	_ =	shalt  }
0x54: {  	_ =	shalt  }
0x55: {  	_ =	shalt  }
0x56: {  	_ =	shalt  }
0x57: {  	_ =	shalt  }
0x58: {  	_ =	shalt  }
0x59: {  	_ =	shalt  }
0x5a: {  	_ =	shalt  }
0x5b: {  	_ =	shalt  }
0x5c: {  	_ =	shalt  }
0x5d: {  	_ =	shalt  }
0x5e: {  	_ =	shalt  }
0x5f: {  	_ =	shalt  }
0x60: {  	_ =	shalt  }
0x61: {  	_ =	shalt  }
0x62: {  	_ =	shalt  }
0x63: {  	_ =	shalt  }
0x64: {  	_ =	shalt  }
0x65: {  	_ =	shalt  }
0x66: {  	_ =	shalt  }
0x67: {  	_ =	shalt  }
0x68: {  	_ =	shalt  }
0x69: {  	_ =	shalt  }
0x6a: {  	_ =	shalt  }
0x6b: {  	_ =	shalt  }
0x6c: {  	_ =	shalt  }
0x6d: {  	_ =	shalt  }
0x6e: {  	_ =	shalt  }
0x6f: {  	_ =	shalt  }
0x70: {  	_ =	shalt  }
0x71: {  	_ =	shalt  }
0x72: {  	_ =	shalt  }
0x73: {  	_ =	shalt  }
0x74: {  	_ =	shalt  }
0x75: {  	_ =	shalt  }
0x76: {  	_ =	shalt  }
0x77: {  	_ =	shalt  }
0x78: {  	_ =	shalt  }
0x79: {  	_ =	shalt  }
0x7a: {  	_ =	shalt  }
0x7b: {  	_ =	shalt  }
0x7c: {  	_ =	shalt  }
0x7d: {  	_ =	shalt  }
0x7e: {  	_ =	shalt  }
0x7f: {  	_ =	shalt  }
0x80: {  	_ =	shalt  }
0x81: {  	_ =	shalt  }
0x82: {  	_ =	shalt  }
0x83: {  	_ =	shalt  }
0x84: {  	_ =	shalt  }
0x85: {  	_ =	shalt  }
0x86: {  	_ =	shalt  }
0x87: {  	_ =	shalt  }
.Lfunc_end0:
.L_simem_size_0:
called_computation_lowered:
.L_overlay_start_0:
0x88: {  	s2 =	sld [smem:$0x3FD9]  }
0x89: {  	s3 =	sld [smem:$0x3FFE];
	_ =	sdelay $0x1  }
0x8a: {  	s1 =	srdreg.scid  }
0x8b: {  	s0 =	sand.u32 $0x1, s1  }
0x8c: {  	s17 =	sshll.u32 s0, $0xA;
	s2 =	sadd.s32 s3, s2  }
0x8d: {  	s2 =	sadd.s32 s2, s17  }
0x8e: {  	[smem:$0x3FC4] =	sst s2  }
0x8f: {  	_ = 	snop  }
0x90: {  	s2 =	sld [smem:$0x3FD0];
	(tm) =	ssettm $0x1  }
0x91: {  	s18 =	sld [smem:$0x3FFB];
	_ =	sdelay $0x3  }
0x92: {  	_ =	strace s18  }
0x93: {  	s3 =	sld [smem:$0x3FFC];
	_ =	sdelay $0x3  }
0x94: {  	_ =	strace s3  }
0x95: {  	s3 =	sld [smem:$0x3FFD];
	_ =	sdelay $0x3  }
0x96: {  	_ =	strace s3  }
0x97: {  	_ =	strace $0x8FFFFFFF  }
0x98: {  	s19 =	sld [smem:$0x3FDB];
	_ =	sdelay $0x1  }
0x99: {  	s4 =	simm.s32 $_scs_section_size  }
0x9a: {  	s5 =	simm.s32 $_size__tile_overlayer_lowered;
	s6 =	simm.s32 $_tile_overlayer_lowered  }
0x9b: {  	s22 =	simm.s32 $0x1BFF;
	s21 =	sshll.u32 s6, $0x1;
	s3 =	sadd.s32 s4, s19  }
0x9c: {  	s7 =	simm.s32 $0x0;
	s20 =	sshll.u32 s5, $0x1;
	s5 =	sadd.s32 s21, s3  }
0x9d: {  	[timem:s7], [sflag:s22] =	dma.local [hbm:s5], s20  }
0x9e: {  	_ =	swait.ge [sflag:s22], s20  }
0x9f: {  	s4 =	ssub.s32 $0x0, s20;
	[sflag:s22] =	ssyncset.done $0x0  }
0xa0: {  	[sflag:s22] =	ssyncadd.s32 s4;
	_ =	sdelay $0x1  }
0xa1: {  	s23 =	simm.s32 $0x1B8B  }
0xa2: {  	_ =	swait.ge [sflag:s23], $0x1  }
0xa3: {  	[sflag:s23] =	ssyncset.done $0x0  }
0xa4: {  	s25 =	simm.s32 $0x1B8E;
	s24 =	sld [smem:$0x3FFE];
	[sflag:s23] =	ssyncadd.s32 $0xFFFFFFFF  }
0xa5: {  	s26 =	simm.s32 $execute0_lowered;
	[smem:$0x3FD2] =	sst s25  }
0xa6: {  	s5 =	sshll.u32 s26, $0x1;
	_ =	strace $0x80000046;
	[dreg:$0x1] =	wrdreg $0xFFFFFFFF  }
0xa7: {  	s28 =	simm.s32 $_size_execute0_lowered;
	s3 =	sadd.s32 s3, s5;
	[dreg:$0x0] =	wrdreg $0x0  }
0xa8: {  	s5 =	sshll.u32 s28, $0x1;
	[dreg:$0x2] =	wrdreg s3  }
0xa9: {  	[dreg:$0x3] =	wrdreg s5  }
0xaa: {  	[dreg:$0x4] =	wrdreg $0xC0  }
0xab: {  	_ =	task [dreg:s7], $0x5FFFF  }
0xac: {  	[dreg:$0x1] =	wrdreg $0xFFFFFFFF  }
0xad: {  	[dreg:$0x0] =	wrdreg $0x60  }
0xae: {  	[dreg:$0x2] =	wrdreg s24  }
0xaf: {  	[dreg:$0x3] =	wrdreg s2  }
0xb0: {  	[dreg:$0x4] =	wrdreg $0x9  }
0xb1: {  	_ =	task.clear_ibuf [dreg:s7], $0x5FFFF;
	_ =	strace $0x90000046  }
0xb2: {  	s29 =	simm.s32 $0x9;
	_ =	strace $0x80000048  }
0xb3: {  	_ =	swait.ge [sflag:s29], $0x1  }
0xb4: {  	[sflag:s29] =	ssyncadd.s32 $0xFFFFFFFF  }
0xb5: {  	_ =	strace $0x90000048  }
0xb6: {  	_ =	sfence  }
0xb7: {  	s30 =	sld [smem:$0x0];
	_ =	sdelay $0x2  }
0xb8: {  	s31 =	sshll.u32 s1, $0xD;
	s1 =	sshrl.u32 s1, $0x2  }
0xb9: {  	s3 =	sand.u32 $0x4000, s31;
	s1 =	sadd.s32 s1, s30  }
0xba: {  	s0 =	sor.u32 s3, s0;
	s1 =	sshll.u32 s1, $0x11  }
0xbb: {  	s0 =	sor.u32 s1, s0  }
0xbc: {  	s0 =	sadd.s32 $0x8F2B, s0  }
0xbd: {  	[sflag:s0] =	ssyncadd.remote.s32 $0x1  }
0xbe: {  	_ =	sfence.sel $0xFFFF  }
0xbf: {  	[dreg:$0x0] =	wrdreg $0xFFFFFFFF;
	(pc) =	sbr.abs _section_cstart, $3  }
0xc0: {  	[dreg:$0x1] =	wrdreg $0xFFFFFFFF  }
0xc1: {  	_ =	task.clear_ibuf [dreg:s7], $0x2FFFF;
	_ =	strace $0x9FFFFFFF  }
0xc2: {  	(tm) =	ssettm $0x7FFFFFFF  }
0xc3: {  	_ =	shalt  }
tec
execute0_lowered:
.L_overlay_start_1:
0x0: {  	(tag) =	ssettag $0x1  }
0x1: {  	s0 =	rddreg [dreg:$0x0]  }
0x2: {  	s1 =	rddreg [dreg:$0x1];
	s3 =	srdreg.scid  }
0x3: {  	s10 =	stileid.u32;
	s2 =	simm.s32 $0x0;
	s28 =	simm.s32 $0xB400  }
0x4: {  	s29 =	simm.s32 $0xC800;
	s30 =	simm.s32 $0xDC00;
	s11 =	smul.u32 $0x27100, s10  }
0x5: {  	s31 =	simm.s32 $0x2;
	s4 =	sand.u32 $0x1, s3;
	s12 =	smul.u32 $0x138800, s10  }
0x6: {  	s26 =	sshll.u32 s10, $0x1;
	[smem:$0x7FF] =	sst s2;
	s14 =	smul.u32 $0x9C400, s4  }
0x7: {  	s5 =	sor.u32 s4, s26;
	s8 =	ssub.s32 $0x2, s4;
	s4 =	smul.u32 $0x13880, s4  }
0x8: {  	s3 =	sadd.s32 $0xC00, s0;
	s6 =	sadd.s32 $0x271C00, s0;
	s7 =	smul.u32 $0xA00, s5  }
0x9: {  	_ =	strace $0x80000047;
	s9 =	smul.u32 $0x9C400, s5;
	s5 =	sshrl.u32 s8, $0x1  }
0xa: {  	s0 =	ssub.s32 s8, s5;
	s4 =	sadd.s32 s4, s11;
	s5 =	sadd.s32 s1, s7  }
0xb: {  	s13 =	sshrl.u32 s9, $0x3;
	s1 =	sadd.s32 s14, s12;
	[dreg:$0x3] =	wrdreg s4  }
0xc: {  	s14 =	simm.s32 $0x80;
	s7 =	sadd.s32 $0x10, s5;
	s15 =	sadd.s32 $0x20, s5  }
0xd: {  	s16 =	sadd.s32 $0x30, s5;
	s8 =	sadd.s32 $0x1388000, s1;
	s19 =	sadd.s32 $0x2710000, s1  }
0xe: {  	s21 =	sadd.s32 $0x3A98000, s1;
	s23 =	sadd.s32 $0x1389400, s1;
	[dreg:$0xa] =	wrdreg s7  }
0xf: {  	s25 =	sadd.s32 $0x2711400, s1;
	s1 =	sadd.s32 $0x3A99400, s1;
	[dreg:$0xb] =	wrdreg s15  }
0x10: {  	s7 =	sadd.s32 s6, s13;
	[dreg:$0xc] =	wrdreg s16;
	s18 =	sshrl.u32 s8, $0x3  }
0x11: {  	s20 =	sshrl.u32 s19, $0x3;
	s22 =	sshrl.u32 s21, $0x3;
	s24 =	sshrl.u32 s23, $0x3  }
0x12: {  	s26 =	sshrl.u32 s25, $0x3;
	s1 =	sshrl.u32 s1, $0x3;
	s13 =	smax.u32 s0, $0x1  }
0x13: {  	s15 =	simm.s32 $0x200;
	s16 =	simm.s32 $0x3;
	[dreg:$0x4] =	wrdreg s18  }
0x14: {  	s19 =	simm.s32 $0x3C00;
	s21 =	simm.s32 $0x5000;
	[dreg:$0x5] =	wrdreg s20  }
0x15: {  	s23 =	simm.s32 $0x7800;
	s25 =	simm.s32 $0x1;
	[dreg:$0x6] =	wrdreg s22  }
0x16: {  	s0 =	simm.s32 $0x0;
	s17 =	sadd.s32 $0x13600, s7;
	[dreg:$0x7] =	wrdreg s24  }
0x17: {  	s10 =	sadd.s32 $0x284600, s7;
	s11 =	sadd.s32 $0x4F5600, s7;
	[dreg:$0x8] =	wrdreg s26  }
0x18: {  	s12 =	sadd.s32 $0x766600, s7;
	[dreg:$0x9] =	wrdreg s1;
	s18 =	simm.s32 $0x2800  }
0x19: {  	s20 =	simm.s32 $0x28;
	s22 =	simm.s32 $0x6400;
	s24 =	simm.s32 $0x8C00  }
0x1a: {  	s26 =	simm.s32 $0xA000;
	[dreg:$0xd] =	wrdreg s17;
	s17 =	simm.s32 $0x1400  }
.LBB2_1:
0x1b: {  	[tilespmem:s2], [sflag:$0x3] =	stream.strided.gather [hbm4b:s5+s14], $0x1400, s15, s14, $0x38;
	[tilespmem:$0xF000] =	vst v63  }
0x1c: {  	_ =	swait.ge [sflag:s16], $0x1400  }
0x1d: {  	[sflag:s16] =	ssyncset.done $0x0  }
0x1e: {  	s1 =	rddreg [dreg:$0xa];
	[sflag:s16] =	ssyncadd.s32 $0xFFFFEC00  }
0x1f: {  	[tilespmem:s17], [sflag:$0x3] =	stream.strided.gather [hbm4b:s1+s14], $0x1400, s15, s14, $0x38;
	[tilespmem:$0xF000] =	vst v63  }
0x20: {  	_ =	swait.ge [sflag:s16], $0x1400  }
0x21: {  	[sflag:s16] =	ssyncset.done $0x0  }
0x22: {  	s7 =	rddreg [dreg:$0xb];
	[sflag:s16] =	ssyncadd.s32 $0xFFFFEC00  }
0x23: {  	[tilespmem:s18], [sflag:$0x3] =	stream.strided.gather [hbm4b:s7+s14], $0x1400, s15, s14, $0x38;
	[tilespmem:$0xF000] =	vst v63  }
0x24: {  	_ =	swait.ge [sflag:s16], $0x1400  }
0x25: {  	[sflag:s16] =	ssyncset.done $0x0  }
0x26: {  	s8 =	rddreg [dreg:$0xc];
	[sflag:s16] =	ssyncadd.s32 $0xFFFFEC00  }
0x27: {  	[tilespmem:s19], [sflag:$0x3] =	stream.strided.gather [hbm4b:s8+s14], $0x1400, s15, s14, $0x38;
	[tilespmem:$0xF000] =	vst v63  }
0x28: {  	_ =	swait.ge [sflag:s16], $0x1400  }
0x29: {  	[sflag:s16] =	ssyncset.done $0x0  }
0x2a: {  	[sflag:s16] =	ssyncadd.s32 $0xFFFFEC00  }
0x2b: {  	[tilespmem:s21], [sflag:$0x1] =	stream.indirect.gather [hbm4b:s3+s20], $0x80, s2, s20, $0xb8;
	[tilespmem:$0xF000] =	vst v63  }
0x2c: {  	_ = 	snop  }
0x2d: {  	[tilespmem:s22], [sflag:$0x1] =	stream.indirect.gather [hbm4b:s3+s20], $0x80, s17, s20, $0xb8;
	[tilespmem:$0xF000] =	vst v63  }
0x2e: {  	_ = 	snop  }
0x2f: {  	[tilespmem:s23], [sflag:$0x1] =	stream.indirect.gather [hbm4b:s3+s20], $0x80, s18, s20, $0xb8;
	[tilespmem:$0xF000] =	vst v63  }
0x30: {  	_ = 	snop  }
0x31: {  	[tilespmem:s24], [sflag:$0x1] =	stream.indirect.gather [hbm4b:s3+s20], $0x80, s19, s20, $0xb8;
	[tilespmem:$0xF000] =	vst v63  }
0x32: {  	_ =	swait.ge [sflag:s25], $0x1400  }
0x33: {  	[sflag:s25] =	ssyncset.done $0x0  }
0x34: {  	[sflag:s25] =	ssyncadd.s32 $0xFFFFEC00  }
0x35: {  	_ =	swait.ge [sflag:s25], $0x1400  }
0x36: {  	[sflag:s25] =	ssyncset.done $0x0  }
0x37: {  	[sflag:s25] =	ssyncadd.s32 $0xFFFFEC00  }
0x38: {  	_ =	swait.ge [sflag:s25], $0x1400  }
0x39: {  	[sflag:s25] =	ssyncset.done $0x0  }
0x3a: {  	[sflag:s25] =	ssyncadd.s32 $0xFFFFEC00  }
0x3b: {  	_ =	swait.ge [sflag:s25], $0x1400  }
0x3c: {  	[sflag:s25] =	ssyncset.done $0x0  }
0x3d: {  	s9 =	simm.s32 $0x28;
	[sflag:s25] =	ssyncadd.s32 $0xFFFFEC00  }
0x3e: {  	[tilespmem:s26], [sflag:$0x2] =	stream.indirect.gather [hbm4b:s3+s20], $0x80, s9, s20, $0xb8;
	[tilespmem:$0xF000] =	vst v63  }
0x3f: {  	s4 =	simm.s32 $0x1428  }
0x40: {  	[tilespmem:s28], [sflag:$0x2] =	stream.indirect.gather [hbm4b:s3+s20], $0x80, s4, s20, $0xb8;
	[tilespmem:$0xF000] =	vst v63  }
0x41: {  	s7 =	simm.s32 $0x2828  }
0x42: {  	[tilespmem:s29], [sflag:$0x2] =	stream.indirect.gather [hbm4b:s3+s20], $0x80, s7, s20, $0xb8;
	[tilespmem:$0xF000] =	vst v63  }
0x43: {  	s8 =	simm.s32 $0x3C28;
	s4 =	rddreg [dreg:$0x3]  }
0x44: {  	[tilespmem:s30], [sflag:$0x2] =	stream.indirect.gather [hbm4b:s3+s20], $0x80, s8, s20, $0xb8;
	[tilespmem:$0xF000] =	vst v63  }
0x45: {  	s1 =	sadd.s32 s6, s4  }
0x46: {  	[hbm4b:s1+s2] =	stream.linear.scatter [tilespmem:s21], [sflag:$0x3], $0x1400, $0x38;
	[tilespmem:$0xF000] =	vst v63  }
0x47: {  	_ =	swait.ge [sflag:s16], $0x1400  }
0x48: {  	s9 =	rddreg [dreg:$0x4];
	[sflag:s16] =	ssyncset.done $0x0  }
0x49: {  	[sflag:s16] =	ssyncadd.s32 $0xFFFFEC00;
	s4 =	sadd.s32 s6, s9  }
0x4a: {  	[hbm4b:s4+s2] =	stream.linear.scatter [tilespmem:s22], [sflag:$0x3], $0x1400, $0x38;
	[tilespmem:$0xF000] =	vst v63  }
0x4b: {  	_ =	swait.ge [sflag:s16], $0x1400  }
0x4c: {  	s7 =	rddreg [dreg:$0x5];
	[sflag:s16] =	ssyncset.done $0x0  }
0x4d: {  	[sflag:s16] =	ssyncadd.s32 $0xFFFFEC00;
	s4 =	sadd.s32 s6, s7  }
0x4e: {  	[hbm4b:s4+s2] =	stream.linear.scatter [tilespmem:s23], [sflag:$0x3], $0x1400, $0x38;
	[tilespmem:$0xF000] =	vst v63  }
0x4f: {  	_ =	swait.ge [sflag:s16], $0x1400  }
0x50: {  	s8 =	rddreg [dreg:$0x6];
	[sflag:s16] =	ssyncset.done $0x0  }
0x51: {  	[sflag:s16] =	ssyncadd.s32 $0xFFFFEC00;
	s4 =	sadd.s32 s6, s8  }
0x52: {  	[hbm4b:s4+s2] =	stream.linear.scatter [tilespmem:s24], [sflag:$0x3], $0x1400, $0x38;
	[tilespmem:$0xF000] =	vst v63  }
0x53: {  	_ =	swait.ge [sflag:s16], $0x1400  }
0x54: {  	[sflag:s16] =	ssyncset.done $0x0  }
0x55: {  	[sflag:s16] =	ssyncadd.s32 $0xFFFFEC00  }
0x56: {  	_ =	swait.ge [sflag:s31], $0x1400  }
0x57: {  	[sflag:s31] =	ssyncset.done $0x0  }
0x58: {  	[sflag:s31] =	ssyncadd.s32 $0xFFFFEC00  }
0x59: {  	_ =	swait.ge [sflag:s31], $0x1400  }
0x5a: {  	[sflag:s31] =	ssyncset.done $0x0  }
0x5b: {  	[sflag:s31] =	ssyncadd.s32 $0xFFFFEC00  }
0x5c: {  	_ =	swait.ge [sflag:s31], $0x1400  }
0x5d: {  	[sflag:s31] =	ssyncset.done $0x0  }
0x5e: {  	[sflag:s31] =	ssyncadd.s32 $0xFFFFEC00  }
0x5f: {  	_ =	swait.ge [sflag:s31], $0x1400  }
0x60: {  	[sflag:s31] =	ssyncset.done $0x0  }
0x61: {  	s9 =	simm.s32 $0x50;
	[sflag:s31] =	ssyncadd.s32 $0xFFFFEC00  }
0x62: {  	[tilespmem:s21], [sflag:$0x1] =	stream.indirect.gather [hbm4b:s3+s20], $0x80, s9, s20, $0xb8;
	[tilespmem:$0xF000] =	vst v63  }
0x63: {  	s7 =	simm.s32 $0x1450  }
0x64: {  	[tilespmem:s22], [sflag:$0x1] =	stream.indirect.gather [hbm4b:s3+s20], $0x80, s7, s20, $0xb8;
	[tilespmem:$0xF000] =	vst v63  }
0x65: {  	s8 =	simm.s32 $0x2850  }
0x66: {  	[tilespmem:s23], [sflag:$0x1] =	stream.indirect.gather [hbm4b:s3+s20], $0x80, s8, s20, $0xb8;
	[tilespmem:$0xF000] =	vst v63  }
0x67: {  	s9 =	simm.s32 $0x3C50  }
0x68: {  	[tilespmem:s24], [sflag:$0x1] =	stream.indirect.gather [hbm4b:s3+s20], $0x80, s9, s20, $0xb8;
	[tilespmem:$0xF000] =	vst v63  }
0x69: {  	s1 =	sadd.s32 $0x280, s1  }
0x6a: {  	[hbm4b:s1+s2] =	stream.linear.scatter [tilespmem:s26], [sflag:$0x3], $0x1400, $0x38;
	[tilespmem:$0xF000] =	vst v63  }
0x6b: {  	_ =	swait.ge [sflag:s16], $0x1400  }
0x6c: {  	s7 =	rddreg [dreg:$0x7];
	[sflag:s16] =	ssyncset.done $0x0  }
0x6d: {  	[sflag:s16] =	ssyncadd.s32 $0xFFFFEC00;
	s1 =	sadd.s32 s6, s7  }
0x6e: {  	[hbm4b:s1+s2] =	stream.linear.scatter [tilespmem:s28], [sflag:$0x3], $0x1400, $0x38;
	[tilespmem:$0xF000] =	vst v63  }
0x6f: {  	_ =	swait.ge [sflag:s16], $0x1400  }
0x70: {  	s8 =	rddreg [dreg:$0x8];
	[sflag:s16] =	ssyncset.done $0x0  }
0x71: {  	[sflag:s16] =	ssyncadd.s32 $0xFFFFEC00;
	s1 =	sadd.s32 s6, s8  }
0x72: {  	[hbm4b:s1+s2] =	stream.linear.scatter [tilespmem:s29], [sflag:$0x3], $0x1400, $0x38;
	[tilespmem:$0xF000] =	vst v63  }
0x73: {  	_ =	swait.ge [sflag:s16], $0x1400  }
0x74: {  	s9 =	rddreg [dreg:$0x9];
	[sflag:s16] =	ssyncset.done $0x0  }
0x75: {  	[sflag:s16] =	ssyncadd.s32 $0xFFFFEC00;
	s1 =	sadd.s32 s6, s9  }
0x76: {  	[hbm4b:s1+s2] =	stream.linear.scatter [tilespmem:s30], [sflag:$0x3], $0x1400, $0x38;
	[tilespmem:$0xF000] =	vst v63  }
0x77: {  	_ =	swait.ge [sflag:s16], $0x1400  }
0x78: {  	s4 =	smov.u32 s6;
	s1 =	simm.s32 $0x140;
	[sflag:s16] =	ssyncset.done $0x0  }
.LBB2_2:
0x79: {  	[sflag:s16] =	ssyncadd.s32 $0xFFFFEC00  }
0x7a: {  	_ =	swait.ge [sflag:s25], $0x1400  }
0x7b: {  	[sflag:s25] =	ssyncset.done $0x0  }
0x7c: {  	[sflag:s25] =	ssyncadd.s32 $0xFFFFEC00  }
0x7d: {  	_ =	swait.ge [sflag:s25], $0x1400  }
0x7e: {  	[sflag:s25] =	ssyncset.done $0x0  }
0x7f: {  	[sflag:s25] =	ssyncadd.s32 $0xFFFFEC00  }
0x80: {  	_ =	swait.ge [sflag:s25], $0x1400  }
0x81: {  	[sflag:s25] =	ssyncset.done $0x0  }
0x82: {  	[sflag:s25] =	ssyncadd.s32 $0xFFFFEC00  }
0x83: {  	s7 =	smov.u32 s1;
	_ =	swait.ge [sflag:s25], $0x1400  }
0x84: {  	s7 =	sshra.s32 s7, $0x2;
	[sflag:s25] =	ssyncset.done $0x0  }
0x85: {  	s8 =	sadd.s32 $0x28, s7;
	[sflag:s25] =	ssyncadd.s32 $0xFFFFEC00  }
0x86: {  	[tilespmem:s26], [sflag:$0x2] =	stream.indirect.gather [hbm4b:s3+s20], $0x80, s8, s20, $0xb8;
	[tilespmem:$0xF000] =	vst v63  }
0x87: {  	s9 =	sadd.s32 $0x1428, s7  }
0x88: {  	[tilespmem:s28], [sflag:$0x2] =	stream.indirect.gather [hbm4b:s3+s20], $0x80, s9, s20, $0xb8;
	[tilespmem:$0xF000] =	vst v63  }
0x89: {  	s8 =	sadd.s32 $0x2828, s7  }
0x8a: {  	[tilespmem:s29], [sflag:$0x2] =	stream.indirect.gather [hbm4b:s3+s20], $0x80, s8, s20, $0xb8;
	[tilespmem:$0xF000] =	vst v63  }
0x8b: {  	s4 =	sadd.s32 $0x500, s4;
	s9 =	rddreg [dreg:$0x3];
	s8 =	sadd.s32 $0x3C28, s7  }
0x8c: {  	[tilespmem:s30], [sflag:$0x2] =	stream.indirect.gather [hbm4b:s3+s20], $0x80, s8, s20, $0xb8;
	[tilespmem:$0xF000] =	vst v63  }
0x8d: {  	s8 =	sadd.s32 s4, s9  }
0x8e: {  	[hbm4b:s8+s2] =	stream.linear.scatter [tilespmem:s21], [sflag:$0x3], $0x1400, $0x38;
	[tilespmem:$0xF000] =	vst v63  }
0x8f: {  	_ =	swait.ge [sflag:s16], $0x1400  }
0x90: {  	s9 =	rddreg [dreg:$0x4];
	[sflag:s16] =	ssyncset.done $0x0  }
0x91: {  	[sflag:s16] =	ssyncadd.s32 $0xFFFFEC00;
	s9 =	sadd.s32 s4, s9  }
0x92: {  	[hbm4b:s9+s2] =	stream.linear.scatter [tilespmem:s22], [sflag:$0x3], $0x1400, $0x38;
	[tilespmem:$0xF000] =	vst v63  }
0x93: {  	_ =	swait.ge [sflag:s16], $0x1400  }
0x94: {  	s9 =	rddreg [dreg:$0x5];
	[sflag:s16] =	ssyncset.done $0x0  }
0x95: {  	[sflag:s16] =	ssyncadd.s32 $0xFFFFEC00;
	s9 =	sadd.s32 s4, s9  }
0x96: {  	[hbm4b:s9+s2] =	stream.linear.scatter [tilespmem:s23], [sflag:$0x3], $0x1400, $0x38;
	[tilespmem:$0xF000] =	vst v63  }
0x97: {  	_ =	swait.ge [sflag:s16], $0x1400  }
0x98: {  	s9 =	rddreg [dreg:$0x6];
	[sflag:s16] =	ssyncset.done $0x0  }
0x99: {  	[sflag:s16] =	ssyncadd.s32 $0xFFFFEC00;
	s9 =	sadd.s32 s4, s9  }
0x9a: {  	[hbm4b:s9+s2] =	stream.linear.scatter [tilespmem:s24], [sflag:$0x3], $0x1400, $0x38;
	[tilespmem:$0xF000] =	vst v63  }
0x9b: {  	_ =	swait.ge [sflag:s16], $0x1400  }
0x9c: {  	[sflag:s16] =	ssyncset.done $0x0  }
0x9d: {  	[sflag:s16] =	ssyncadd.s32 $0xFFFFEC00  }
0x9e: {  	_ =	swait.ge [sflag:s31], $0x1400  }
0x9f: {  	[sflag:s31] =	ssyncset.done $0x0  }
0xa0: {  	[sflag:s31] =	ssyncadd.s32 $0xFFFFEC00  }
0xa1: {  	_ =	swait.ge [sflag:s31], $0x1400  }
0xa2: {  	[sflag:s31] =	ssyncset.done $0x0  }
0xa3: {  	[sflag:s31] =	ssyncadd.s32 $0xFFFFEC00  }
0xa4: {  	_ =	swait.ge [sflag:s31], $0x1400  }
0xa5: {  	[sflag:s31] =	ssyncset.done $0x0  }
0xa6: {  	[sflag:s31] =	ssyncadd.s32 $0xFFFFEC00  }
0xa7: {  	_ =	swait.ge [sflag:s31], $0x1400  }
0xa8: {  	[sflag:s31] =	ssyncset.done $0x0  }
0xa9: {  	s9 =	sadd.s32 $0x50, s7;
	[sflag:s31] =	ssyncadd.s32 $0xFFFFEC00  }
0xaa: {  	[tilespmem:s21], [sflag:$0x1] =	stream.indirect.gather [hbm4b:s3+s20], $0x80, s9, s20, $0xb8;
	[tilespmem:$0xF000] =	vst v63  }
0xab: {  	s9 =	sadd.s32 $0x1450, s7  }
0xac: {  	[tilespmem:s22], [sflag:$0x1] =	stream.indirect.gather [hbm4b:s3+s20], $0x80, s9, s20, $0xb8;
	[tilespmem:$0xF000] =	vst v63  }
0xad: {  	s9 =	sadd.s32 $0x2850, s7  }
0xae: {  	[tilespmem:s23], [sflag:$0x1] =	stream.indirect.gather [hbm4b:s3+s20], $0x80, s9, s20, $0xb8;
	[tilespmem:$0xF000] =	vst v63  }
0xaf: {  	s7 =	sadd.s32 $0x3C50, s7  }
0xb0: {  	[tilespmem:s24], [sflag:$0x1] =	stream.indirect.gather [hbm4b:s3+s20], $0x80, s7, s20, $0xb8;
	[tilespmem:$0xF000] =	vst v63  }
0xb1: {  	s8 =	sadd.s32 $0x280, s8  }
0xb2: {  	[hbm4b:s8+s2] =	stream.linear.scatter [tilespmem:s26], [sflag:$0x3], $0x1400, $0x38;
	[tilespmem:$0xF000] =	vst v63  }
0xb3: {  	_ =	swait.ge [sflag:s16], $0x1400  }
0xb4: {  	s9 =	rddreg [dreg:$0x7];
	[sflag:s16] =	ssyncset.done $0x0  }
0xb5: {  	[sflag:s16] =	ssyncadd.s32 $0xFFFFEC00;
	s7 =	sadd.s32 s4, s9  }
0xb6: {  	[hbm4b:s7+s2] =	stream.linear.scatter [tilespmem:s28], [sflag:$0x3], $0x1400, $0x38;
	[tilespmem:$0xF000] =	vst v63  }
0xb7: {  	_ =	swait.ge [sflag:s16], $0x1400  }
0xb8: {  	s8 =	rddreg [dreg:$0x8];
	[sflag:s16] =	ssyncset.done $0x0  }
0xb9: {  	[sflag:s16] =	ssyncadd.s32 $0xFFFFEC00;
	s7 =	sadd.s32 s4, s8  }
0xba: {  	[hbm4b:s7+s2] =	stream.linear.scatter [tilespmem:s29], [sflag:$0x3], $0x1400, $0x38;
	[tilespmem:$0xF000] =	vst v63  }
0xbb: {  	p0 =	sne.s32 s1, $0x4C40;
	_ =	swait.ge [sflag:s16], $0x1400  }
.Ltmp0:
0xbc: {  	s9 =	rddreg [dreg:$0x9];
	[sflag:s16] =	ssyncset.done $0x0;
	(pc) =	sbr.rel @p0 .LBB2_2-.Ltmp0, $4  }
0xbd: {  	[sflag:s16] =	ssyncadd.s32 $0xFFFFEC00;
	s7 =	sadd.s32 s4, s9  }
0xbe: {  	[hbm4b:s7+s2] =	stream.linear.scatter [tilespmem:s30], [sflag:$0x3], $0x1400, $0x38;
	[tilespmem:$0xF000] =	vst v63  }
0xbf: {  	_ =	swait.ge [sflag:s16], $0x1400  }
0xc0: {  	s1 =	sadd.s32 $0x140, s1;
	[sflag:s16] =	ssyncset.done $0x0  }
0xc1: {  	[sflag:s16] =	ssyncadd.s32 $0xFFFFEC00  }
0xc2: {  	_ =	swait.ge [sflag:s25], $0x1400  }
0xc3: {  	[sflag:s25] =	ssyncset.done $0x0  }
0xc4: {  	[sflag:s25] =	ssyncadd.s32 $0xFFFFEC00  }
0xc5: {  	_ =	swait.ge [sflag:s25], $0x1400  }
0xc6: {  	[sflag:s25] =	ssyncset.done $0x0  }
0xc7: {  	[sflag:s25] =	ssyncadd.s32 $0xFFFFEC00  }
0xc8: {  	_ =	swait.ge [sflag:s25], $0x1400  }
0xc9: {  	[sflag:s25] =	ssyncset.done $0x0  }
0xca: {  	[sflag:s25] =	ssyncadd.s32 $0xFFFFEC00  }
0xcb: {  	_ =	swait.ge [sflag:s25], $0x1400  }
0xcc: {  	[sflag:s25] =	ssyncset.done $0x0  }
0xcd: {  	s1 =	rddreg [dreg:$0xd];
	[sflag:s25] =	ssyncadd.s32 $0xFFFFEC00  }
0xce: {  	[hbm4b:s1+s2] =	stream.linear.scatter [tilespmem:s21], [sflag:$0x3], $0x1400, $0x38;
	[tilespmem:$0xF000] =	vst v63  }
0xcf: {  	_ =	swait.ge [sflag:s16], $0x1400  }
0xd0: {  	[sflag:s16] =	ssyncset.done $0x0  }
0xd1: {  	[sflag:s16] =	ssyncadd.s32 $0xFFFFEC00  }
0xd2: {  	[hbm4b:s10+s2] =	stream.linear.scatter [tilespmem:s22], [sflag:$0x3], $0x1400, $0x38;
	[tilespmem:$0xF000] =	vst v63  }
0xd3: {  	_ =	swait.ge [sflag:s16], $0x1400  }
0xd4: {  	[sflag:s16] =	ssyncset.done $0x0  }
0xd5: {  	[sflag:s16] =	ssyncadd.s32 $0xFFFFEC00  }
0xd6: {  	[hbm4b:s11+s2] =	stream.linear.scatter [tilespmem:s23], [sflag:$0x3], $0x1400, $0x38;
	[tilespmem:$0xF000] =	vst v63  }
0xd7: {  	s0 =	sadd.s32 $0x1, s0;
	_ =	swait.ge [sflag:s16], $0x1400  }
0xd8: {  	p0 =	sne.s32 s0, s13;
	[sflag:s16] =	ssyncset.done $0x0  }
.Ltmp1:
0xd9: {  	[sflag:s16] =	ssyncadd.s32 $0xFFFFEC00;
	(pc) =	sbr.rel @p0 .LBB2_1-.Ltmp1, $4  }
0xda: {  	[hbm4b:s12+s2] =	stream.linear.scatter [tilespmem:s24], [sflag:$0x3], $0x1400, $0x38;
	[tilespmem:$0xF000] =	vst v63  }
0xdb: {  	_ =	swait.ge [sflag:s16], $0x1400  }
0xdc: {  	[sflag:s16] =	ssyncset.done $0x0  }
0xdd: {  	[sflag:s16] =	ssyncadd.s32 $0xFFFFEC00  }
0xde: {  	_ =	sfence.sel $0x180000  }
0xdf: {  	[bflag:$0x0] =	sbarrier.arrive $0xFFFF  }
0xe0: {  	_ =	strace $0x90000047  }
0xe1: {  	s0 =	stileid.u32;
	[bflag:$0x2] =	sbarrier.arrive $0xFFFF  }
0xe2: {  	p0 =	sne.s32 s0, $0x0;
	s0 =	rddreg [dreg:$0x2]  }
0xe3: {  	s0 =	sadd.s32 @!p0 $0x100000, s0  }
0xe4: {  	[sflag:s0] =	ssyncadd.tile.s32 @!p0 $0x1;
	_ =	shalt  }
.Lfunc_end2:
_tile_overlayer_lowered:
.L_overlay_start_2:
0xe5: {  	(tag) =	ssettag $0x2  }
0xe6: {  	s0 =	rddreg [dreg:$0x0];
	s2 =	stileid.u32  }
0xe7: {  	s1 =	rddreg [dreg:$0x1];
	p0 =	sne.s32 s2, $0x0  }
0xe8: {  	s3 =	rddreg [dreg:$0x2];
	[bflag:$0x3] =	sbarrier.arrive $0xFFFF;
	s2 =	simm.s32 @!p0 $0x1C03  }
0xe9: {  	[timem:s3], [sflag:s2] =	dma.local @!p0 [hbm:s0], s1  }
0xea: {  	s0 =	simm.s32 @!p0 $0x3  }
0xeb: {  	_ =	swait.ge @!p0 [sflag:s0], s1  }
0xec: {  	s1 =	ssub.s32 @!p0 $0x0, s1;
	[sflag:s0] =	ssyncset.done @!p0 $0x0  }
0xed: {  	[sflag:s0] =	ssyncadd.s32 @!p0 s1  }
0xee: {  	[bflag:$0x3] =	sbarrier.arrive $0xFFFF  }
0xef: {  	_ =	shalt  }

</sc_bundles>
